<compile_context>
chip_gen: v7x
topology: tpu7x:2x2x1
jax: 0.10.2.dev20260603
libtpu: 0.0.44.dev20260713+nightly
codegen_flags: <defaults>
</compile_context>

<pallas_src>
import functools

import jax
import jax.numpy as jnp
from jax import lax
from jax.experimental import pallas as pl
from jax.experimental.pallas import tpu as pltpu
from jax.experimental.pallas import tpu_sc as plsc

E = 8
D = 768
H = 2048
T = 2048
COEF = 0.01

GBLK = 512
NGB = T // GBLK
BLK = 256
MAX_TILES = T // BLK + E - 1
PADDED = MAX_TILES * BLK
NC, NS = 2, 16
NW = NC * NS
CHUNK = T // NW


def _gate_body(x_ref, gw_ref, gb_ref, pos_ref, te_ref, tv_ref, loss_ref,
               carry_ref, choice_s, poswi_s):
    i = pl.program_id(0)

    @pl.when(i == 0)
    def _():
        carry_ref[...] = jnp.zeros((1, E), jnp.float32)

    @pl.when(i < NGB)
    def _():
        xb = x_ref[0]
        logits = jnp.dot(xb, gw_ref[...],
                         preferred_element_type=jnp.float32) + gb_ref[...]
        lane = lax.broadcasted_iota(jnp.int32, (GBLK, E), 1)
        mx = jnp.max(logits, axis=1, keepdims=True)
        ex = jnp.exp(logits - mx)
        probs = ex / jnp.sum(ex, axis=1, keepdims=True)
        pmax = jnp.max(probs, axis=1, keepdims=True)
        first = jnp.where(probs == pmax, lane, E)
        choice = jnp.min(first, axis=1)

        onehot = (lane == choice[:, None]).astype(jnp.float32)
        r = lax.broadcasted_iota(jnp.int32, (GBLK, GBLK), 0)
        c = lax.broadcasted_iota(jnp.int32, (GBLK, GBLK), 1)
        tri = (c < r).astype(jnp.float32)
        rank = jnp.dot(tri, onehot,
                       preferred_element_type=jnp.float32) + carry_ref[...]
        poswi = jnp.sum(onehot * rank, axis=1)

        choice_s[pl.ds(i, 1), :] = choice.reshape(1, GBLK)
        poswi_s[pl.ds(i, 1), :] = poswi.astype(jnp.int32).reshape(1, GBLK)
        carry_ref[...] = carry_ref[...] + jnp.sum(onehot, axis=0,
                                                  keepdims=True)

    @pl.when(i == NGB)
    def _():
        totals = carry_ref[...]
        p = totals / float(T)
        loss = -jnp.sum(p * jnp.log(p + 1e-10)) * COEF
        loss_ref[...] = jnp.full((1, E), loss, jnp.float32)
        ch = choice_s[...]
        pw = poswi_s[...]
        jb = lax.broadcasted_iota(jnp.int32, (1, 128), 1) * BLK
        acc = jnp.zeros((NGB, GBLK), jnp.int32)
        te = jnp.zeros((1, 128), jnp.int32)
        off = jnp.int32(0)
        for e in range(E):
            te = te + (off <= jb).astype(jnp.int32)
            acc = jnp.where(ch == e, off + pw, acc)
            cnt = totals[0, e].astype(jnp.int32)
            off = off + ((cnt + BLK - 1) // BLK) * BLK
        pos_ref[...] = acc.reshape(1, T)
        te_ref[...] = te - 1
        tv_ref[...] = (jb < off).astype(jnp.int32)


def _gate_call(xf, gate_W, gate_b):
    return pl.pallas_call(
        _gate_body,
        grid=(NGB + 1,),
        in_specs=[
            pl.BlockSpec((1, GBLK, D),
                         lambda i: (0, jnp.minimum(i, NGB - 1), 0)),
            pl.BlockSpec((D, E), lambda i: (0, 0)),
            pl.BlockSpec((1, E), lambda i: (0, 0)),
        ],
        out_specs=[
            pl.BlockSpec((1, T), lambda i: (0, 0)),
            pl.BlockSpec((1, 128), lambda i: (0, 0)),
            pl.BlockSpec((1, 128), lambda i: (0, 0)),
            pl.BlockSpec((1, E), lambda i: (0, 0)),
        ],
        out_shape=[
            jax.ShapeDtypeStruct((1, T), jnp.int32),
            jax.ShapeDtypeStruct((1, 128), jnp.int32),
            jax.ShapeDtypeStruct((1, 128), jnp.int32),
            jax.ShapeDtypeStruct((1, E), jnp.float32),
        ],
        scratch_shapes=[
            pltpu.VMEM((1, E), jnp.float32),
            pltpu.VMEM((NGB, GBLK), jnp.int32),
            pltpu.VMEM((NGB, GBLK), jnp.int32),
        ],
    )(xf, gate_W, gate_b)


def _dispatch_body(pos_hbm, x_hbm, xs_hbm, pos_v, rows_v, sem):
    wid = lax.axis_index("s") * NC + lax.axis_index("c")
    base = wid * CHUNK
    pltpu.sync_copy(pos_hbm.at[0, pl.ds(base, CHUNK)], pos_v)
    pltpu.sync_copy(x_hbm.at[0, pl.ds(base, CHUNK)], rows_v)
    pltpu.async_copy(rows_v, xs_hbm.at[pos_v], sem).wait()


def _dispatch_call(pos, xf):
    mesh = plsc.VectorSubcoreMesh(core_axis_name="c", subcore_axis_name="s")
    fn = functools.partial(
        pl.kernel,
        mesh=mesh,
        out_type=jax.ShapeDtypeStruct((PADDED, D), jnp.float32),
        scratch_types=[
            pltpu.VMEM((CHUNK,), jnp.int32),
            pltpu.VMEM((CHUNK, D), jnp.float32),
            pltpu.SemaphoreType.DMA,
        ],
    )(_dispatch_body)
    return fn(pos, xf)


def _ffn_body(te_ref, tv_ref, xs_ref, w1_ref, b1_ref, w2_ref, b2_ref,
              pw_ref, pb_ref, out_ref):
    j = pl.program_id(0)

    @pl.when(tv_ref[0, j] == 1)
    def _():
        e = te_ref[0, j]
        xb = xs_ref[...].astype(jnp.bfloat16)
        h = jnp.dot(xb, w1_ref[0].astype(jnp.bfloat16),
                    preferred_element_type=jnp.float32) + b1_ref[pl.ds(e, 1)]
        h = jnp.maximum(h, 0.0).astype(jnp.bfloat16)
        y = jnp.dot(h, w2_ref[0].astype(jnp.bfloat16),
                    preferred_element_type=jnp.float32) + b2_ref[pl.ds(e, 1)]
        out_ref[...] = jnp.dot(
            y.astype(jnp.bfloat16), pw_ref[...].astype(jnp.bfloat16),
            preferred_element_type=jnp.float32) + pb_ref[...]


def _ffn_call(te, tv, xs, W1, b1, W2, b2, proj_W, proj_b2d):
    grid_spec = pltpu.PrefetchScalarGridSpec(
        num_scalar_prefetch=2,
        grid=(MAX_TILES,),
        in_specs=[
            pl.BlockSpec((BLK, D), lambda j, te, tv: (j, 0)),
            pl.BlockSpec((1, D, H), lambda j, te, tv: (te[0, j], 0, 0)),
            pl.BlockSpec((E, H), lambda j, te, tv: (0, 0)),
            pl.BlockSpec((1, H, D), lambda j, te, tv: (te[0, j], 0, 0)),
            pl.BlockSpec((E, D), lambda j, te, tv: (0, 0)),
            pl.BlockSpec((D, D), lambda j, te, tv: (0, 0)),
            pl.BlockSpec((1, D), lambda j, te, tv: (0, 0)),
        ],
        out_specs=pl.BlockSpec((BLK, D), lambda j, te, tv: (j, 0)),
    )
    return pl.pallas_call(
        _ffn_body,
        grid_spec=grid_spec,
        out_shape=jax.ShapeDtypeStruct((PADDED, D), jnp.float32),
    )(te, tv, xs, W1, b1, W2, b2, proj_W, proj_b2d)


def _combine_body(pos_hbm, ys_hbm, out_hbm, pos_v, rows_v, sem):
    wid = lax.axis_index("s") * NC + lax.axis_index("c")
    base = wid * CHUNK
    pltpu.sync_copy(pos_hbm.at[0, pl.ds(base, CHUNK)], pos_v)
    pltpu.async_copy(ys_hbm.at[pos_v], rows_v, sem).wait()
    pltpu.sync_copy(rows_v, out_hbm.at[0, pl.ds(base, CHUNK)])


def _combine_call(pos, ys):
    mesh = plsc.VectorSubcoreMesh(core_axis_name="c", subcore_axis_name="s")
    fn = functools.partial(
        pl.kernel,
        mesh=mesh,
        out_type=jax.ShapeDtypeStruct((1, T, D), jnp.float32),
        scratch_types=[
            pltpu.VMEM((CHUNK,), jnp.int32),
            pltpu.VMEM((CHUNK, D), jnp.float32),
            pltpu.SemaphoreType.DMA,
        ],
    )(_combine_body)
    return fn(pos, ys)


def kernel(x, gate_W, gate_b, W1, b1, W2, b2, proj_W, proj_b):
    pos, te, tv, loss_o = _gate_call(x, gate_W, gate_b.reshape(1, E))

    xs = _dispatch_call(pos, x)
    ys = _ffn_call(te, tv, xs, W1, b1, W2, b2, proj_W,
                   proj_b.reshape(1, D))
    out = _combine_call(pos, ys)

    loss = loss_o[0, 0].reshape(())
    return out, loss

# --- scband reference (transcript-rebuilt; emitter-appended) ---
"""Pipeline reference for scband-expert-layer-5849745457476 (READ-ONLY COPY).

The authoritative reference and input builder live on the scoring server;
editing this copy changes nothing except your own understanding.
"""

import jax, jax.numpy as jnp
import numpy as np

E = 8
D = 768
H = 2048
B = 1
S = 2048
COEF = 0.01


def setup_inputs(seed: int = 0) -> dict:
    key = jax.random.key(seed)
    ks = jax.random.split(key, 10)
    sd = 1.0 / np.sqrt(D)
    sh = 1.0 / np.sqrt(H)
    return {
        "x": jax.random.normal(ks[0], (B, S, D), dtype=jnp.float32),
        "gate_W": jax.random.uniform(ks[1], (D, E), jnp.float32, -sd, sd),
        "gate_b": jax.random.uniform(ks[2], (E,), jnp.float32, -sd, sd),
        "W1": jax.random.uniform(ks[3], (E, D, H), jnp.float32, -sd, sd),
        "b1": jax.random.uniform(ks[4], (E, H), jnp.float32, -sd, sd),
        "W2": jax.random.uniform(ks[5], (E, H, D), jnp.float32, -sh, sh),
        "b2": jax.random.uniform(ks[6], (E, D), jnp.float32, -sh, sh),
        "proj_W": jax.random.uniform(ks[7], (D, D), jnp.float32, -sd, sd),
        "proj_b": jax.random.uniform(ks[8], (D,), jnp.float32, -sd, sd),
    }


def reference(x, gate_W, gate_b, W1, b1, W2, b2, proj_W, proj_b):
    bs, seq_len, d_model = x.shape
    flat_x = x.reshape(-1, d_model)
    T = flat_x.shape[0]
    gate_logits = flat_x @ gate_W + gate_b
    routing_weights = jax.nn.softmax(gate_logits, axis=-1)
    expert_choice = jnp.argmax(routing_weights, axis=-1)
    expert_mask = jax.nn.one_hot(expert_choice, E, dtype=jnp.float32)
    expert_counts = expert_mask.sum(axis=0)
    expert_probs = expert_counts / (bs * seq_len)
    balance_loss = -jnp.sum(expert_probs * jnp.log(expert_probs + 1e-10)) * COEF
    # dense per-expert FFN over all tokens (matches torch loop over experts)
    h = jax.nn.relu(jnp.einsum('td,edh->eth', flat_x, W1) + b1[:, None, :])
    expert_outputs = jnp.einsum('eth,ehd->etd', h, W2) + b2[:, None, :]
    expert_outputs = jnp.transpose(expert_outputs, (1, 0, 2))  # [T, E, d]
    selected = jnp.take_along_axis(expert_outputs, expert_choice[:, None, None], axis=1)[:, 0, :]
    projected = selected @ proj_W + proj_b
    # dropout is identity in eval/deterministic mode
    return projected.reshape(bs, seq_len, d_model), balance_loss

if __name__ == "__main__":
    import jax
    _d = setup_inputs()
    print(jax.jit(kernel)(*tuple(_d.values())))

</pallas_src>

<mosaic_0001>
#map = affine_map<(d0, d1) -> (0, 0)>
#map1 = affine_map<(d0, d1) -> (0, 0, 0)>
module attributes {stable_mosaic.version = 14 : i64} {
  func.func @_combine_body(%arg0: i32, %arg1: i32, %arg2: memref<1x2048xi32, #tpu.memory_space<hbm>>, %arg3: memref<3840x768xf32, #tpu.memory_space<hbm>>, %arg4: memref<1x2048x768xf32, #tpu.memory_space<hbm>>, %arg5: memref<64xi32, #tpu.memory_space<vmem>>, %arg6: memref<64x768xf32, #tpu.memory_space<vmem>>, %arg7: memref<!tpu.dma_semaphore, #tpu.memory_space<semaphore_mem>>) attributes {dimension_semantics = [#tpu.dimension_semantics<core_parallel>, #tpu.dimension_semantics<subcore_parallel>], iteration_bounds = array<i64: 2, 16>, scalar_prefetch = 0 : i64, scratch_operands = 3 : i64, tpu.core_type = #tpu.core_type<sc_vector_subcore>, window_params = [{transform_indices = #map}, {transform_indices = #map}, {transform_indices = #map1}]} {
    %mul3A = arith.constant 2 : i32
    %mul3A_0 = arith.muli %arg1, %mul3A : i32
    %add3A = arith.addi %mul3A_0, %arg0 : i32
    %mul3A_1 = arith.constant 64 : i32
    %mul3A_2 = arith.muli %add3A, %mul3A_1 : i32
    %run_scoped3A = arith.constant 0 : i32
    "tpu.region"() ({
      %run_scoped3A_8 = tpu.sem_alloc : memref<!tpu.dma_semaphore, #tpu.memory_space<semaphore_mem>>
      %dma_start3A_9 = tpu.memref_slice %arg2[%run_scoped3A, %mul3A_2] : memref<1x2048xi32, #tpu.memory_space<hbm>> -> memref<1x64xi32, #tpu.memory_space<hbm>>
      %dma_start3A_10 = tpu.memref_squeeze %dma_start3A_9 : memref<1x64xi32, #tpu.memory_space<hbm>> -> memref<64xi32, #tpu.memory_space<hbm>>
      %dma_start3A_11 = tpu.memref_slice %arg2[%run_scoped3A, %mul3A_2] : memref<1x2048xi32, #tpu.memory_space<hbm>> -> memref<1x64xi32, #tpu.memory_space<hbm>>
      %dma_start3A_12 = tpu.memref_squeeze %dma_start3A_11 : memref<1x64xi32, #tpu.memory_space<hbm>> -> memref<64xi32, #tpu.memory_space<hbm>>
      tpu.enqueue_dma source(%dma_start3A_12 : memref<64xi32, #tpu.memory_space<hbm>>) target(%arg5 : memref<64xi32, #tpu.memory_space<vmem>>) target_semaphore(%run_scoped3A_8 : memref<!tpu.dma_semaphore, #tpu.memory_space<semaphore_mem>>)
      %dma_wait3A_13 = tpu.memref_slice %arg2[%run_scoped3A, %mul3A_2] : memref<1x2048xi32, #tpu.memory_space<hbm>> -> memref<1x64xi32, #tpu.memory_space<hbm>>
      %dma_wait3A_14 = tpu.memref_squeeze %dma_wait3A_13 : memref<1x64xi32, #tpu.memory_space<hbm>> -> memref<64xi32, #tpu.memory_space<hbm>>
      %dma_wait3A_15 = tpu.memref_slice %arg2[%run_scoped3A, %mul3A_2] : memref<1x2048xi32, #tpu.memory_space<hbm>> -> memref<1x64xi32, #tpu.memory_space<hbm>>
      %dma_wait3A_16 = tpu.memref_squeeze %dma_wait3A_15 : memref<1x64xi32, #tpu.memory_space<hbm>> -> memref<64xi32, #tpu.memory_space<hbm>>
      tpu.wait_dma2 semaphore(%run_scoped3A_8 : memref<!tpu.dma_semaphore, #tpu.memory_space<semaphore_mem>>) src(%dma_wait3A_16 : memref<64xi32, #tpu.memory_space<hbm>>) dst(%arg5 : memref<64xi32, #tpu.memory_space<vmem>>)
      tpu.yield
    }) : () -> ()
    %dma_start3A = arith.constant 0 : i32
    %dma_start3A_3 = arith.constant 0 : i32
    %dma_start3A_4 = tpu.memref_slice %arg3[%dma_start3A, %dma_start3A_3] : memref<3840x768xf32, #tpu.memory_space<hbm>> -> memref<3840x768xf32, #tpu.memory_space<hbm>>
    tpu.enqueue_indirect_dma source(%dma_start3A_4 : memref<3840x768xf32, #tpu.memory_space<hbm>>) target(%arg6 : memref<64x768xf32, #tpu.memory_space<vmem>>) offsets(%arg5 : memref<64xi32, #tpu.memory_space<vmem>>) semaphore(%arg7 : memref<!tpu.dma_semaphore, #tpu.memory_space<semaphore_mem>>)
    %dma_wait3A = arith.constant 0 : i32
    %dma_wait3A_5 = arith.constant 0 : i32
    %dma_wait3A_6 = tpu.memref_slice %arg3[%dma_wait3A, %dma_wait3A_5] : memref<3840x768xf32, #tpu.memory_space<hbm>> -> memref<3840x768xf32, #tpu.memory_space<hbm>>
    tpu.wait_indirect_dma semaphore(%arg7 : memref<!tpu.dma_semaphore, #tpu.memory_space<semaphore_mem>>) src(%dma_wait3A_6 : memref<3840x768xf32, #tpu.memory_space<hbm>>) dst(%arg6 : memref<64x768xf32, #tpu.memory_space<vmem>>)
    %run_scoped3A_7 = arith.constant 0 : i32
    "tpu.region"() ({
      %run_scoped3A_8 = tpu.sem_alloc : memref<!tpu.dma_semaphore, #tpu.memory_space<semaphore_mem>>
      %dma_start3A_9 = arith.constant 0 : i32
      %dma_start3A_10 = tpu.memref_slice %arg4[%run_scoped3A_7, %mul3A_2, %dma_start3A_9] : memref<1x2048x768xf32, #tpu.memory_space<hbm>> -> memref<1x64x768xf32, #tpu.memory_space<hbm>>
      %dma_start3A_11 = tpu.memref_squeeze %dma_start3A_10 : memref<1x64x768xf32, #tpu.memory_space<hbm>> -> memref<64x768xf32, #tpu.memory_space<hbm>>
      %dma_start3A_12 = arith.constant 0 : i32
      %dma_start3A_13 = tpu.memref_slice %arg4[%run_scoped3A_7, %mul3A_2, %dma_start3A_12] : memref<1x2048x768xf32, #tpu.memory_space<hbm>> -> memref<1x64x768xf32, #tpu.memory_space<hbm>>
      %dma_start3A_14 = tpu.memref_squeeze %dma_start3A_13 : memref<1x64x768xf32, #tpu.memory_space<hbm>> -> memref<64x768xf32, #tpu.memory_space<hbm>>
      tpu.enqueue_dma source(%arg6 : memref<64x768xf32, #tpu.memory_space<vmem>>) target(%dma_start3A_14 : memref<64x768xf32, #tpu.memory_space<hbm>>) target_semaphore(%run_scoped3A_8 : memref<!tpu.dma_semaphore, #tpu.memory_space<semaphore_mem>>)
      %dma_wait3A_15 = arith.constant 0 : i32
      %dma_wait3A_16 = tpu.memref_slice %arg4[%run_scoped3A_7, %mul3A_2, %dma_wait3A_15] : memref<1x2048x768xf32, #tpu.memory_space<hbm>> -> memref<1x64x768xf32, #tpu.memory_space<hbm>>
      %dma_wait3A_17 = tpu.memref_squeeze %dma_wait3A_16 : memref<1x64x768xf32, #tpu.memory_space<hbm>> -> memref<64x768xf32, #tpu.memory_space<hbm>>
      %dma_wait3A_18 = arith.constant 0 : i32
      %dma_wait3A_19 = tpu.memref_slice %arg4[%run_scoped3A_7, %mul3A_2, %dma_wait3A_18] : memref<1x2048x768xf32, #tpu.memory_space<hbm>> -> memref<1x64x768xf32, #tpu.memory_space<hbm>>
      %dma_wait3A_20 = tpu.memref_squeeze %dma_wait3A_19 : memref<1x64x768xf32, #tpu.memory_space<hbm>> -> memref<64x768xf32, #tpu.memory_space<hbm>>
      tpu.wait_dma2 semaphore(%run_scoped3A_8 : memref<!tpu.dma_semaphore, #tpu.memory_space<semaphore_mem>>) src(%arg6 : memref<64x768xf32, #tpu.memory_space<vmem>>) dst(%dma_wait3A_20 : memref<64x768xf32, #tpu.memory_space<hbm>>)
      tpu.yield
    }) : () -> ()
    return
  }
}

#map = affine_map<(d0, d1) -> (0, 0)>
#map1 = affine_map<(d0, d1) -> (0, 0, 0)>
module attributes {stable_mosaic.version = 14 : i64} {
  func.func @_dispatch_body(%arg0: i32, %arg1: i32, %arg2: memref<1x2048xi32, #tpu.memory_space<hbm>>, %arg3: memref<1x2048x768xf32, #tpu.memory_space<hbm>>, %arg4: memref<3840x768xf32, #tpu.memory_space<hbm>>, %arg5: memref<64xi32, #tpu.memory_space<vmem>>, %arg6: memref<64x768xf32, #tpu.memory_space<vmem>>, %arg7: memref<!tpu.dma_semaphore, #tpu.memory_space<semaphore_mem>>) attributes {dimension_semantics = [#tpu.dimension_semantics<core_parallel>, #tpu.dimension_semantics<subcore_parallel>], iteration_bounds = array<i64: 2, 16>, scalar_prefetch = 0 : i64, scratch_operands = 3 : i64, tpu.core_type = #tpu.core_type<sc_vector_subcore>, window_params = [{transform_indices = #map}, {transform_indices = #map1}, {transform_indices = #map}]} {
    %mul3A = arith.constant 2 : i32
    %mul3A_0 = arith.muli %arg1, %mul3A : i32
    %add3A = arith.addi %mul3A_0, %arg0 : i32
    %mul3A_1 = arith.constant 64 : i32
    %mul3A_2 = arith.muli %add3A, %mul3A_1 : i32
    %run_scoped3A = arith.constant 0 : i32
    "tpu.region"() ({
      %run_scoped3A_8 = tpu.sem_alloc : memref<!tpu.dma_semaphore, #tpu.memory_space<semaphore_mem>>
      %dma_start3A_9 = tpu.memref_slice %arg2[%run_scoped3A, %mul3A_2] : memref<1x2048xi32, #tpu.memory_space<hbm>> -> memref<1x64xi32, #tpu.memory_space<hbm>>
      %dma_start3A_10 = tpu.memref_squeeze %dma_start3A_9 : memref<1x64xi32, #tpu.memory_space<hbm>> -> memref<64xi32, #tpu.memory_space<hbm>>
      %dma_start3A_11 = tpu.memref_slice %arg2[%run_scoped3A, %mul3A_2] : memref<1x2048xi32, #tpu.memory_space<hbm>> -> memref<1x64xi32, #tpu.memory_space<hbm>>
      %dma_start3A_12 = tpu.memref_squeeze %dma_start3A_11 : memref<1x64xi32, #tpu.memory_space<hbm>> -> memref<64xi32, #tpu.memory_space<hbm>>
      tpu.enqueue_dma source(%dma_start3A_12 : memref<64xi32, #tpu.memory_space<hbm>>) target(%arg5 : memref<64xi32, #tpu.memory_space<vmem>>) target_semaphore(%run_scoped3A_8 : memref<!tpu.dma_semaphore, #tpu.memory_space<semaphore_mem>>)
      %dma_wait3A_13 = tpu.memref_slice %arg2[%run_scoped3A, %mul3A_2] : memref<1x2048xi32, #tpu.memory_space<hbm>> -> memref<1x64xi32, #tpu.memory_space<hbm>>
      %dma_wait3A_14 = tpu.memref_squeeze %dma_wait3A_13 : memref<1x64xi32, #tpu.memory_space<hbm>> -> memref<64xi32, #tpu.memory_space<hbm>>
      %dma_wait3A_15 = tpu.memref_slice %arg2[%run_scoped3A, %mul3A_2] : memref<1x2048xi32, #tpu.memory_space<hbm>> -> memref<1x64xi32, #tpu.memory_space<hbm>>
      %dma_wait3A_16 = tpu.memref_squeeze %dma_wait3A_15 : memref<1x64xi32, #tpu.memory_space<hbm>> -> memref<64xi32, #tpu.memory_space<hbm>>
      tpu.wait_dma2 semaphore(%run_scoped3A_8 : memref<!tpu.dma_semaphore, #tpu.memory_space<semaphore_mem>>) src(%dma_wait3A_16 : memref<64xi32, #tpu.memory_space<hbm>>) dst(%arg5 : memref<64xi32, #tpu.memory_space<vmem>>)
      tpu.yield
    }) : () -> ()
    %run_scoped3A_3 = arith.constant 0 : i32
    "tpu.region"() ({
      %run_scoped3A_8 = tpu.sem_alloc : memref<!tpu.dma_semaphore, #tpu.memory_space<semaphore_mem>>
      %dma_start3A_9 = arith.constant 0 : i32
      %dma_start3A_10 = tpu.memref_slice %arg3[%run_scoped3A_3, %mul3A_2, %dma_start3A_9] : memref<1x2048x768xf32, #tpu.memory_space<hbm>> -> memref<1x64x768xf32, #tpu.memory_space<hbm>>
      %dma_start3A_11 = tpu.memref_squeeze %dma_start3A_10 : memref<1x64x768xf32, #tpu.memory_space<hbm>> -> memref<64x768xf32, #tpu.memory_space<hbm>>
      %dma_start3A_12 = arith.constant 0 : i32
      %dma_start3A_13 = tpu.memref_slice %arg3[%run_scoped3A_3, %mul3A_2, %dma_start3A_12] : memref<1x2048x768xf32, #tpu.memory_space<hbm>> -> memref<1x64x768xf32, #tpu.memory_space<hbm>>
      %dma_start3A_14 = tpu.memref_squeeze %dma_start3A_13 : memref<1x64x768xf32, #tpu.memory_space<hbm>> -> memref<64x768xf32, #tpu.memory_space<hbm>>
      tpu.enqueue_dma source(%dma_start3A_14 : memref<64x768xf32, #tpu.memory_space<hbm>>) target(%arg6 : memref<64x768xf32, #tpu.memory_space<vmem>>) target_semaphore(%run_scoped3A_8 : memref<!tpu.dma_semaphore, #tpu.memory_space<semaphore_mem>>)
      %dma_wait3A_15 = arith.constant 0 : i32
      %dma_wait3A_16 = tpu.memref_slice %arg3[%run_scoped3A_3, %mul3A_2, %dma_wait3A_15] : memref<1x2048x768xf32, #tpu.memory_space<hbm>> -> memref<1x64x768xf32, #tpu.memory_space<hbm>>
      %dma_wait3A_17 = tpu.memref_squeeze %dma_wait3A_16 : memref<1x64x768xf32, #tpu.memory_space<hbm>> -> memref<64x768xf32, #tpu.memory_space<hbm>>
      %dma_wait3A_18 = arith.constant 0 : i32
      %dma_wait3A_19 = tpu.memref_slice %arg3[%run_scoped3A_3, %mul3A_2, %dma_wait3A_18] : memref<1x2048x768xf32, #tpu.memory_space<hbm>> -> memref<1x64x768xf32, #tpu.memory_space<hbm>>
      %dma_wait3A_20 = tpu.memref_squeeze %dma_wait3A_19 : memref<1x64x768xf32, #tpu.memory_space<hbm>> -> memref<64x768xf32, #tpu.memory_space<hbm>>
      tpu.wait_dma2 semaphore(%run_scoped3A_8 : memref<!tpu.dma_semaphore, #tpu.memory_space<semaphore_mem>>) src(%dma_wait3A_20 : memref<64x768xf32, #tpu.memory_space<hbm>>) dst(%arg6 : memref<64x768xf32, #tpu.memory_space<vmem>>)
      tpu.yield
    }) : () -> ()
    %dma_start3A = arith.constant 0 : i32
    %dma_start3A_4 = arith.constant 0 : i32
    %dma_start3A_5 = tpu.memref_slice %arg4[%dma_start3A, %dma_start3A_4] : memref<3840x768xf32, #tpu.memory_space<hbm>> -> memref<3840x768xf32, #tpu.memory_space<hbm>>
    tpu.enqueue_indirect_dma source(%arg6 : memref<64x768xf32, #tpu.memory_space<vmem>>) target(%dma_start3A_5 : memref<3840x768xf32, #tpu.memory_space<hbm>>) offsets(%arg5 : memref<64xi32, #tpu.memory_space<vmem>>) semaphore(%arg7 : memref<!tpu.dma_semaphore, #tpu.memory_space<semaphore_mem>>)
    %dma_wait3A = arith.constant 0 : i32
    %dma_wait3A_6 = arith.constant 0 : i32
    %dma_wait3A_7 = tpu.memref_slice %arg4[%dma_wait3A, %dma_wait3A_6] : memref<3840x768xf32, #tpu.memory_space<hbm>> -> memref<3840x768xf32, #tpu.memory_space<hbm>>
    tpu.wait_indirect_dma semaphore(%arg7 : memref<!tpu.dma_semaphore, #tpu.memory_space<semaphore_mem>>) src(%arg6 : memref<64x768xf32, #tpu.memory_space<vmem>>) dst(%dma_wait3A_7 : memref<3840x768xf32, #tpu.memory_space<hbm>>)
    return
  }
}

module attributes {stable_mosaic.version = 14 : i64} {
  func.func @_ffn_body(%arg0: i32, %arg1: memref<1x128xi32, #tpu.memory_space<smem>>, %arg2: memref<1x128xi32, #tpu.memory_space<smem>>, %arg3: memref<256x768xf32, #tpu.memory_space<vmem>>, %arg4: memref<1x768x2048xf32, #tpu.memory_space<vmem>>, %arg5: memref<8x2048xf32, #tpu.memory_space<vmem>>, %arg6: memref<1x2048x768xf32, #tpu.memory_space<vmem>>, %arg7: memref<8x768xf32, #tpu.memory_space<vmem>>, %arg8: memref<768x768xf32, #tpu.memory_space<vmem>>, %arg9: memref<1x768xf32, #tpu.memory_space<vmem>>, %arg10: memref<256x768xf32, #tpu.memory_space<vmem>>) attributes {dimension_semantics = [#tpu.dimension_semantics<arbitrary>], iteration_bounds = array<i64: 15>, scalar_prefetch = 2 : i64, scratch_operands = 0 : i64, tpu.core_type = #tpu.core_type<tc>, window_params = [{transform_indices = @transform_0, window_bounds = array<i64: 256, 768>}, {transform_indices = @transform_1, window_bounds = array<i64: 1, 768, 2048>}, {pipeline_mode = #tpu.pipeline_mode<synchronous>, transform_indices = @transform_2, window_bounds = array<i64: 8, 2048>}, {transform_indices = @transform_3, window_bounds = array<i64: 1, 2048, 768>}, {pipeline_mode = #tpu.pipeline_mode<synchronous>, transform_indices = @transform_4, window_bounds = array<i64: 8, 768>}, {pipeline_mode = #tpu.pipeline_mode<synchronous>, transform_indices = @transform_5, window_bounds = array<i64: 768, 768>}, {pipeline_mode = #tpu.pipeline_mode<synchronous>, transform_indices = @transform_6, window_bounds = array<i64: 1, 768>}, {transform_indices = @transform_7, window_bounds = array<i64: 256, 768>}]} {
    %get3A = arith.constant 0 : index
    %get3A_0 = arith.index_cast %arg0 : i32 to index
    %get3A_1 = memref.load %arg2[%get3A, %get3A_0] : memref<1x128xi32, #tpu.memory_space<smem>>
    %eq3A = arith.constant 1 : i32
    %eq3A_2 = arith.cmpi eq, %get3A_1, %eq3A : i32
    %convert_element_type3A = arith.extui %eq3A_2 : i1 to i32
    %cond3A = arith.constant 0 : i32
    %cond3A_3 = arith.cmpi ne, %convert_element_type3A, %cond3A : i32
    scf.if %cond3A_3 {
      %get3A_4 = arith.constant 0 : index
      %get3A_5 = arith.index_cast %arg0 : i32 to index
      %get3A_6 = memref.load %arg1[%get3A_4, %get3A_5] : memref<1x128xi32, #tpu.memory_space<smem>>
      %get3A_7 = arith.constant 0 : index
      %get3A_8 = arith.constant 0 : index
      %get3A_9 = vector.load %arg3[%get3A_7, %get3A_8] : memref<256x768xf32, #tpu.memory_space<vmem>>, vector<256x768xf32>
      %convert_element_type3A_10 = arith.truncf %get3A_9 : vector<256x768xf32> to vector<256x768xbf16>
      %get3A_11 = arith.constant 0 : index
      %get3A_12 = arith.constant 0 : index
      %get3A_13 = arith.constant 0 : index
      %get3A_14 = vector.load %arg4[%get3A_11, %get3A_12, %get3A_13] : memref<1x768x2048xf32, #tpu.memory_space<vmem>>, vector<1x768x2048xf32>
      %get3A_15 = vector.shape_cast %get3A_14 : vector<1x768x2048xf32> to vector<768x2048xf32>
      %convert_element_type3A_16 = arith.truncf %get3A_15 : vector<768x2048xf32> to vector<768x2048xbf16>
      %dot_general3A = arith.constant dense<0.000000e+00> : vector<256x2048xf32>
      %dot_general3A_17 = tpu.matmul %convert_element_type3A_10, %convert_element_type3A_16, %dot_general3A {dimension_numbers = #tpu.dot_dimension_numbers<[1], [0], [0], [1], [0, 0, 1, 1], [], []>, transpose_lhs_hint = false} : vector<256x768xbf16>, vector<768x2048xbf16>, vector<256x2048xf32> -> vector<256x2048xf32>
      %get3A_18 = arith.index_cast %get3A_6 : i32 to index
      %get3A_19 = arith.constant 0 : index
      %get3A_20 = vector.load %arg5[%get3A_18, %get3A_19] : memref<8x2048xf32, #tpu.memory_space<vmem>>, vector<1x2048xf32>
      %add3A = vector.broadcast %get3A_20 : vector<1x2048xf32> to vector<256x2048xf32>
      %add3A_21 = arith.addf %dot_general3A_17, %add3A : vector<256x2048xf32>
      %max3A = arith.constant 0.000000e+00 : f32
      %max3A_22 = vector.broadcast %max3A : f32 to vector<256x2048xf32>
      %max3A_23 = arith.maximumf %add3A_21, %max3A_22 : vector<256x2048xf32>
      %convert_element_type3A_24 = arith.truncf %max3A_23 : vector<256x2048xf32> to vector<256x2048xbf16>
      %get3A_25 = arith.constant 0 : index
      %get3A_26 = arith.constant 0 : index
      %get3A_27 = arith.constant 0 : index
      %get3A_28 = vector.load %arg6[%get3A_25, %get3A_26, %get3A_27] : memref<1x2048x768xf32, #tpu.memory_space<vmem>>, vector<1x2048x768xf32>
      %get3A_29 = vector.shape_cast %get3A_28 : vector<1x2048x768xf32> to vector<2048x768xf32>
      %convert_element_type3A_30 = arith.truncf %get3A_29 : vector<2048x768xf32> to vector<2048x768xbf16>
      %dot_general3A_31 = arith.constant dense<0.000000e+00> : vector<256x768xf32>
      %dot_general3A_32 = tpu.matmul %convert_element_type3A_24, %convert_element_type3A_30, %dot_general3A_31 {dimension_numbers = #tpu.dot_dimension_numbers<[1], [0], [0], [1], [0, 0, 1, 1], [], []>, transpose_lhs_hint = false} : vector<256x2048xbf16>, vector<2048x768xbf16>, vector<256x768xf32> -> vector<256x768xf32>
      %get3A_33 = arith.index_cast %get3A_6 : i32 to index
      %get3A_34 = arith.constant 0 : index
      %get3A_35 = vector.load %arg7[%get3A_33, %get3A_34] : memref<8x768xf32, #tpu.memory_space<vmem>>, vector<1x768xf32>
      %add3A_36 = vector.broadcast %get3A_35 : vector<1x768xf32> to vector<256x768xf32>
      %add3A_37 = arith.addf %dot_general3A_32, %add3A_36 : vector<256x768xf32>
      %convert_element_type3A_38 = arith.truncf %add3A_37 : vector<256x768xf32> to vector<256x768xbf16>
      %get3A_39 = arith.constant 0 : index
      %get3A_40 = arith.constant 0 : index
      %get3A_41 = vector.load %arg8[%get3A_39, %get3A_40] : memref<768x768xf32, #tpu.memory_space<vmem>>, vector<768x768xf32>
      %convert_element_type3A_42 = arith.truncf %get3A_41 : vector<768x768xf32> to vector<768x768xbf16>
      %dot_general3A_43 = arith.constant dense<0.000000e+00> : vector<256x768xf32>
      %dot_general3A_44 = tpu.matmul %convert_element_type3A_38, %convert_element_type3A_42, %dot_general3A_43 {dimension_numbers = #tpu.dot_dimension_numbers<[1], [0], [0], [1], [0, 0, 1, 1], [], []>, transpose_lhs_hint = false} : vector<256x768xbf16>, vector<768x768xbf16>, vector<256x768xf32> -> vector<256x768xf32>
      %get3A_45 = arith.constant 0 : index
      %get3A_46 = arith.constant 0 : index
      %get3A_47 = vector.load %arg9[%get3A_45, %get3A_46] : memref<1x768xf32, #tpu.memory_space<vmem>>, vector<1x768xf32>
      %add3A_48 = vector.broadcast %get3A_47 : vector<1x768xf32> to vector<256x768xf32>
      %add3A_49 = arith.addf %dot_general3A_44, %add3A_48 : vector<256x768xf32>
      %swap3A = arith.constant 0 : index
      %swap3A_50 = arith.constant 0 : index
      %swap3A_51 = vector.load %arg10[%swap3A, %swap3A_50] : memref<256x768xf32, #tpu.memory_space<vmem>>, vector<256x768xf32>
      tpu.vector_store %arg10[%swap3A, %swap3A_50], %add3A_49 {strides = array<i32>} : memref<256x768xf32, #tpu.memory_space<vmem>>, vector<256x768xf32>,
    } else {
    }
    return
  }
  func.func @transform_0(%arg0: i32, %arg1: memref<1x128xi32, #tpu.memory_space<smem>>, %arg2: memref<1x128xi32, #tpu.memory_space<smem>>) -> (i32, i32) {
    %c0_i32 = arith.constant 0 : i32
    %c0_i32_0 = arith.constant 0 : i32
    return %arg0, %c0_i32 : i32, i32
  }
  func.func @transform_1(%arg0: i32, %arg1: memref<1x128xi32, #tpu.memory_space<smem>>, %arg2: memref<1x128xi32, #tpu.memory_space<smem>>) -> (i32, i32, i32) {
    %get3A = arith.constant 0 : index
    %get3A_0 = arith.index_cast %arg0 : i32 to index
    %get3A_1 = memref.load %arg1[%get3A, %get3A_0] : memref<1x128xi32, #tpu.memory_space<smem>>
    %c0_i32 = arith.constant 0 : i32
    %c0_i32_2 = arith.constant 0 : i32
    %c0_i32_3 = arith.constant 0 : i32
    return %get3A_1, %c0_i32, %c0_i32_2 : i32, i32, i32
  }
  func.func @transform_2(%arg0: i32, %arg1: memref<1x128xi32, #tpu.memory_space<smem>>, %arg2: memref<1x128xi32, #tpu.memory_space<smem>>) -> (i32, i32) {
    %c0_i32 = arith.constant 0 : i32
    %c0_i32_0 = arith.constant 0 : i32
    %c0_i32_1 = arith.constant 0 : i32
    return %c0_i32, %c0_i32_0 : i32, i32
  }
  func.func @transform_3(%arg0: i32, %arg1: memref<1x128xi32, #tpu.memory_space<smem>>, %arg2: memref<1x128xi32, #tpu.memory_space<smem>>) -> (i32, i32, i32) {
    %get3A = arith.constant 0 : index
    %get3A_0 = arith.index_cast %arg0 : i32 to index
    %get3A_1 = memref.load %arg1[%get3A, %get3A_0] : memref<1x128xi32, #tpu.memory_space<smem>>
    %c0_i32 = arith.constant 0 : i32
    %c0_i32_2 = arith.constant 0 : i32
    %c0_i32_3 = arith.constant 0 : i32
    return %get3A_1, %c0_i32, %c0_i32_2 : i32, i32, i32
  }
  func.func @transform_4(%arg0: i32, %arg1: memref<1x128xi32, #tpu.memory_space<smem>>, %arg2: memref<1x128xi32, #tpu.memory_space<smem>>) -> (i32, i32) {
    %c0_i32 = arith.constant 0 : i32
    %c0_i32_0 = arith.constant 0 : i32
    %c0_i32_1 = arith.constant 0 : i32
    return %c0_i32, %c0_i32_0 : i32, i32
  }
  func.func @transform_5(%arg0: i32, %arg1: memref<1x128xi32, #tpu.memory_space<smem>>, %arg2: memref<1x128xi32, #tpu.memory_space<smem>>) -> (i32, i32) {
    %c0_i32 = arith.constant 0 : i32
    %c0_i32_0 = arith.constant 0 : i32
    %c0_i32_1 = arith.constant 0 : i32
    return %c0_i32, %c0_i32_0 : i32, i32
  }
  func.func @transform_6(%arg0: i32, %arg1: memref<1x128xi32, #tpu.memory_space<smem>>, %arg2: memref<1x128xi32, #tpu.memory_space<smem>>) -> (i32, i32) {
    %c0_i32 = arith.constant 0 : i32
    %c0_i32_0 = arith.constant 0 : i32
    %c0_i32_1 = arith.constant 0 : i32
    return %c0_i32, %c0_i32_0 : i32, i32
  }
  func.func @transform_7(%arg0: i32, %arg1: memref<1x128xi32, #tpu.memory_space<smem>>, %arg2: memref<1x128xi32, #tpu.memory_space<smem>>) -> (i32, i32) {
    %c0_i32 = arith.constant 0 : i32
    %c0_i32_0 = arith.constant 0 : i32
    return %arg0, %c0_i32 : i32, i32
  }
}

module attributes {stable_mosaic.version = 14 : i64} {
  func.func @_gate_body(%arg0: i32, %arg1: memref<1x512x768xf32, #tpu.memory_space<vmem>>, %arg2: memref<768x8xf32, #tpu.memory_space<vmem>>, %arg3: memref<1x8xf32, #tpu.memory_space<vmem>>, %arg4: memref<1x2048xi32, #tpu.memory_space<vmem>>, %arg5: memref<1x128xi32, #tpu.memory_space<vmem>>, %arg6: memref<1x128xi32, #tpu.memory_space<vmem>>, %arg7: memref<1x8xf32, #tpu.memory_space<vmem>>, %arg8: memref<1x8xf32, #tpu.memory_space<vmem>>, %arg9: memref<4x512xi32, #tpu.memory_space<vmem>>, %arg10: memref<4x512xi32, #tpu.memory_space<vmem>>) attributes {dimension_semantics = [#tpu.dimension_semantics<arbitrary>], iteration_bounds = array<i64: 5>, scalar_prefetch = 0 : i64, scratch_operands = 3 : i64, tpu.core_type = #tpu.core_type<tc>, window_params = [{transform_indices = @transform_0, window_bounds = array<i64: 1, 512, 768>}, {pipeline_mode = #tpu.pipeline_mode<synchronous>, transform_indices = @transform_1, window_bounds = array<i64: 768, 8>}, {pipeline_mode = #tpu.pipeline_mode<synchronous>, transform_indices = @transform_2, window_bounds = array<i64: 1, 8>}, {pipeline_mode = #tpu.pipeline_mode<synchronous>, transform_indices = @transform_3, window_bounds = array<i64: 1, 2048>}, {pipeline_mode = #tpu.pipeline_mode<synchronous>, transform_indices = @transform_4, window_bounds = array<i64: 1, 128>}, {pipeline_mode = #tpu.pipeline_mode<synchronous>, transform_indices = @transform_5, window_bounds = array<i64: 1, 128>}, {pipeline_mode = #tpu.pipeline_mode<synchronous>, transform_indices = @transform_6, window_bounds = array<i64: 1, 8>}]} {
    %eq3A = arith.constant 0 : i32
    %eq3A_0 = arith.cmpi eq, %arg0, %eq3A : i32
    %convert_element_type3A = arith.extui %eq3A_0 : i1 to i32
    %cond3A = arith.constant 0 : i32
    %cond3A_1 = arith.cmpi ne, %convert_element_type3A, %cond3A : i32
    scf.if %cond3A_1 {
      %broadcast_in_dim3A = arith.constant 0.000000e+00 : f32
      %broadcast_in_dim3A_11 = vector.broadcast %broadcast_in_dim3A : f32 to vector<1x8xf32>
      %swap3A = arith.constant 0 : index
      %swap3A_12 = arith.constant 0 : index
      %swap3A_13 = vector.load %arg8[%swap3A, %swap3A_12] : memref<1x8xf32, #tpu.memory_space<vmem>>, vector<1x8xf32>
      tpu.vector_store %arg8[%swap3A, %swap3A_12], %broadcast_in_dim3A_11 {strides = array<i32>} : memref<1x8xf32, #tpu.memory_space<vmem>>, vector<1x8xf32>,
    } else {
    }
    %lt3A = arith.constant 4 : i32
    %lt3A_2 = arith.cmpi slt, %arg0, %lt3A : i32
    %convert_element_type3A_3 = arith.extui %lt3A_2 : i1 to i32
    %cond3A_4 = arith.constant 0 : i32
    %cond3A_5 = arith.cmpi ne, %convert_element_type3A_3, %cond3A_4 : i32
    scf.if %cond3A_5 {
      %get3A = arith.constant 0 : index
      %get3A_11 = arith.constant 0 : index
      %get3A_12 = arith.constant 0 : index
      %get3A_13 = vector.load %arg1[%get3A, %get3A_11, %get3A_12] : memref<1x512x768xf32, #tpu.memory_space<vmem>>, vector<1x512x768xf32>
      %get3A_14 = vector.shape_cast %get3A_13 : vector<1x512x768xf32> to vector<512x768xf32>
      %get3A_15 = arith.constant 0 : index
      %get3A_16 = arith.constant 0 : index
      %get3A_17 = vector.load %arg2[%get3A_15, %get3A_16] : memref<768x8xf32, #tpu.memory_space<vmem>>, vector<768x8xf32>
      %dot_general3A = arith.constant dense<0.000000e+00> : vector<512x8xf32>
      %dot_general3A_18 = tpu.matmul %get3A_14, %get3A_17, %dot_general3A {dimension_numbers = #tpu.dot_dimension_numbers<[1], [0], [0], [1], [0, 0, 1, 1], [], []>, transpose_lhs_hint = false} : vector<512x768xf32>, vector<768x8xf32>, vector<512x8xf32> -> vector<512x8xf32>
      %get3A_19 = arith.constant 0 : index
      %get3A_20 = arith.constant 0 : index
      %get3A_21 = vector.load %arg3[%get3A_19, %get3A_20] : memref<1x8xf32, #tpu.memory_space<vmem>>, vector<1x8xf32>
      %add3A = vector.broadcast %get3A_21 : vector<1x8xf32> to vector<512x8xf32>
      %add3A_22 = arith.addf %dot_general3A_18, %add3A : vector<512x8xf32>
      %iota3A = tpu.iota {dimensions = array<i32: 1>} : vector<512x8xi32>
      %reduce_max3A = arith.constant dense<0xFF800000> : vector<512xf32>
      %reduce_max3A_23 = vector.multi_reduction <maximumf>, %add3A_22, %reduce_max3A [1] : vector<512x8xf32> to vector<512xf32>
      %broadcast_in_dim3A = vector.shape_cast %reduce_max3A_23 : vector<512xf32> to vector<512x1xf32>
      %sub3A = vector.broadcast %broadcast_in_dim3A : vector<512x1xf32> to vector<512x8xf32>
      %sub3A_24 = arith.subf %add3A_22, %sub3A : vector<512x8xf32>
      %exp3A = math.exp %sub3A_24 : vector<512x8xf32>
      %reduce_sum3A = arith.constant dense<0.000000e+00> : vector<512xf32>
      %reduce_sum3A_25 = vector.multi_reduction <add>, %exp3A, %reduce_sum3A [1] : vector<512x8xf32> to vector<512xf32>
      %broadcast_in_dim3A_26 = vector.shape_cast %reduce_sum3A_25 : vector<512xf32> to vector<512x1xf32>
      %div3A = vector.broadcast %broadcast_in_dim3A_26 : vector<512x1xf32> to vector<512x8xf32>
      %div3A_27 = arith.divf %exp3A, %div3A : vector<512x8xf32>
      %reduce_max3A_28 = arith.constant dense<0xFF800000> : vector<512xf32>
      %reduce_max3A_29 = vector.multi_reduction <maximumf>, %div3A_27, %reduce_max3A_28 [1] : vector<512x8xf32> to vector<512xf32>
      %broadcast_in_dim3A_30 = vector.shape_cast %reduce_max3A_29 : vector<512xf32> to vector<512x1xf32>
      %eq3A_31 = vector.broadcast %broadcast_in_dim3A_30 : vector<512x1xf32> to vector<512x8xf32>
      %eq3A_32 = arith.cmpf oeq, %div3A_27, %eq3A_31 : vector<512x8xf32>
      %jit3A = arith.constant 8 : i32
      %broadcast_in_dim3A_33 = vector.broadcast %jit3A : i32 to vector<512x8xi32>
      %select_n3A = arith.select %eq3A_32, %iota3A, %broadcast_in_dim3A_33 : vector<512x8xi1>, vector<512x8xi32>
      %reduce_min3A = arith.constant dense<2147483647> : vector<512xi32>
      %reduce_min3A_34 = vector.multi_reduction <minsi>, %select_n3A, %reduce_min3A [1] : vector<512x8xi32> to vector<512xi32>
      %broadcast_in_dim3A_35 = vector.shape_cast %reduce_min3A_34 : vector<512xi32> to vector<512x1xi32>
      %eq3A_36 = vector.broadcast %broadcast_in_dim3A_35 : vector<512x1xi32> to vector<512x8xi32>
      %eq3A_37 = arith.cmpi eq, %iota3A, %eq3A_36 : vector<512x8xi32>
      %convert_element_type3A_38 = arith.extui %eq3A_37 : vector<512x8xi1> to vector<512x8xi32>
      %convert_element_type3A_39 = arith.sitofp %convert_element_type3A_38 : vector<512x8xi32> to vector<512x8xf32>
      %iota3A_40 = tpu.iota {dimensions = array<i32: 0>} : vector<512x512xi32>
      %iota3A_41 = tpu.iota {dimensions = array<i32: 1>} : vector<512x512xi32>
      %lt3A_42 = arith.cmpi slt, %iota3A_41, %iota3A_40 : vector<512x512xi32>
      %convert_element_type3A_43 = arith.extui %lt3A_42 : vector<512x512xi1> to vector<512x512xi32>
      %convert_element_type3A_44 = arith.sitofp %convert_element_type3A_43 : vector<512x512xi32> to vector<512x512xf32>
      %dot_general3A_45 = arith.constant dense<0.000000e+00> : vector<512x8xf32>
      %dot_general3A_46 = tpu.matmul %convert_element_type3A_44, %convert_element_type3A_39, %dot_general3A_45 {dimension_numbers = #tpu.dot_dimension_numbers<[1], [0], [0], [1], [0, 0, 1, 1], [], []>, transpose_lhs_hint = false} : vector<512x512xf32>, vector<512x8xf32>, vector<512x8xf32> -> vector<512x8xf32>
      %get3A_47 = arith.constant 0 : index
      %get3A_48 = arith.constant 0 : index
      %get3A_49 = vector.load %arg8[%get3A_47, %get3A_48] : memref<1x8xf32, #tpu.memory_space<vmem>>, vector<1x8xf32>
      %add3A_50 = vector.broadcast %get3A_49 : vector<1x8xf32> to vector<512x8xf32>
      %add3A_51 = arith.addf %dot_general3A_46, %add3A_50 : vector<512x8xf32>
      %mul3A = arith.mulf %convert_element_type3A_39, %add3A_51 : vector<512x8xf32>
      %reduce_sum3A_52 = arith.constant dense<0.000000e+00> : vector<512xf32>
      %reduce_sum3A_53 = vector.multi_reduction <add>, %mul3A, %reduce_sum3A_52 [1] : vector<512x8xf32> to vector<512xf32>
      %reshape3A = vector.shape_cast %reduce_min3A_34 : vector<512xi32> to vector<1x512xi32>
      %swap3A = arith.index_cast %arg0 : i32 to index
      %swap3A_54 = arith.constant 0 : index
      %swap3A_55 = vector.load %arg9[%swap3A, %swap3A_54] : memref<4x512xi32, #tpu.memory_space<vmem>>, vector<1x512xi32>
      tpu.vector_store %arg9[%swap3A, %swap3A_54], %reshape3A {strides = array<i32>} : memref<4x512xi32, #tpu.memory_space<vmem>>, vector<1x512xi32>,
      %convert_element_type3A_56 = arith.fptosi %reduce_sum3A_53 : vector<512xf32> to vector<512xi32>
      %reshape3A_57 = vector.shape_cast %convert_element_type3A_56 : vector<512xi32> to vector<1x512xi32>
      %swap3A_58 = arith.index_cast %arg0 : i32 to index
      %swap3A_59 = arith.constant 0 : index
      %swap3A_60 = vector.load %arg10[%swap3A_58, %swap3A_59] : memref<4x512xi32, #tpu.memory_space<vmem>>, vector<1x512xi32>
      tpu.vector_store %arg10[%swap3A_58, %swap3A_59], %reshape3A_57 {strides = array<i32>} : memref<4x512xi32, #tpu.memory_space<vmem>>, vector<1x512xi32>,
      %get3A_61 = arith.constant 0 : index
      %get3A_62 = arith.constant 0 : index
      %get3A_63 = vector.load %arg8[%get3A_61, %get3A_62] : memref<1x8xf32, #tpu.memory_space<vmem>>, vector<1x8xf32>
      %reduce_sum3A_64 = arith.constant dense<0.000000e+00> : vector<8xf32>
      %reduce_sum3A_65 = vector.multi_reduction <add>, %convert_element_type3A_39, %reduce_sum3A_64 [0] : vector<512x8xf32> to vector<8xf32>
      %broadcast_in_dim3A_66 = vector.shape_cast %reduce_sum3A_65 : vector<8xf32> to vector<1x8xf32>
      %add3A_67 = arith.addf %get3A_63, %broadcast_in_dim3A_66 : vector<1x8xf32>
      %swap3A_68 = arith.constant 0 : index
      %swap3A_69 = arith.constant 0 : index
      %swap3A_70 = vector.load %arg8[%swap3A_68, %swap3A_69] : memref<1x8xf32, #tpu.memory_space<vmem>>, vector<1x8xf32>
      tpu.vector_store %arg8[%swap3A_68, %swap3A_69], %add3A_67 {strides = array<i32>} : memref<1x8xf32, #tpu.memory_space<vmem>>, vector<1x8xf32>,
    } else {
    }
    %eq3A_6 = arith.constant 4 : i32
    %eq3A_7 = arith.cmpi eq, %arg0, %eq3A_6 : i32
    %convert_element_type3A_8 = arith.extui %eq3A_7 : i1 to i32
    %cond3A_9 = arith.constant 0 : i32
    %cond3A_10 = arith.cmpi ne, %convert_element_type3A_8, %cond3A_9 : i32
    scf.if %cond3A_10 {
      %get3A = arith.constant 0 : index
      %get3A_11 = arith.constant 0 : index
      %get3A_12 = vector.load %arg8[%get3A, %get3A_11] : memref<1x8xf32, #tpu.memory_space<vmem>>, vector<1x8xf32>
      %div3A = arith.constant 2.048000e+03 : f32
      %div3A_13 = vector.broadcast %div3A : f32 to vector<1x8xf32>
      %div3A_14 = arith.divf %get3A_12, %div3A_13 : vector<1x8xf32>
      %add3A = arith.constant 1.000000e-10 : f32
      %add3A_15 = vector.broadcast %add3A : f32 to vector<1x8xf32>
      %add3A_16 = arith.addf %div3A_14, %add3A_15 : vector<1x8xf32>
      %log3A = math.log %add3A_16 : vector<1x8xf32>
      %mul3A = arith.mulf %div3A_14, %log3A : vector<1x8xf32>
      %reduce_sum3A = vector.shape_cast %mul3A : vector<1x8xf32> to vector<1x1x8xf32>
      %reduce_sum3A_17 = arith.constant dense<0.000000e+00> : vector<1xf32>
      %reduce_sum3A_18 = vector.multi_reduction <add>, %reduce_sum3A, %reduce_sum3A_17 [1, 2] : vector<1x1x8xf32> to vector<1xf32>
      %reduce_sum3A_19 = vector.shape_cast %reduce_sum3A_18 : vector<1xf32> to vector<1x1x1xf32>
      %reduce_sum3A_20 = vector.extract %reduce_sum3A_19[0, 0, 0] : f32 from vector<1x1x1xf32>
      %neg3A = arith.constant 0.000000e+00 : f32
      %neg3A_21 = arith.subf %neg3A, %reduce_sum3A_20 : f32
      %mul3A_22 = arith.constant 0.00999999977 : f32
      %mul3A_23 = arith.mulf %neg3A_21, %mul3A_22 : f32
      %broadcast_in_dim3A = vector.broadcast %mul3A_23 : f32 to vector<1x8xf32>
      %swap3A = arith.constant 0 : index
      %swap3A_24 = arith.constant 0 : index
      %swap3A_25 = vector.load %arg7[%swap3A, %swap3A_24] : memref<1x8xf32, #tpu.memory_space<vmem>>, vector<1x8xf32>
      tpu.vector_store %arg7[%swap3A, %swap3A_24], %broadcast_in_dim3A {strides = array<i32>} : memref<1x8xf32, #tpu.memory_space<vmem>>, vector<1x8xf32>,
      %get3A_26 = arith.constant 0 : index
      %get3A_27 = arith.constant 0 : index
      %get3A_28 = vector.load %arg9[%get3A_26, %get3A_27] : memref<4x512xi32, #tpu.memory_space<vmem>>, vector<4x512xi32>
      %get3A_29 = arith.constant 0 : index
      %get3A_30 = arith.constant 0 : index
      %get3A_31 = vector.load %arg10[%get3A_29, %get3A_30] : memref<4x512xi32, #tpu.memory_space<vmem>>, vector<4x512xi32>
      %iota3A = tpu.iota {dimensions = array<i32: 1>} : vector<1x128xi32>
      %mul3A_32 = arith.constant 256 : i32
      %mul3A_33 = vector.broadcast %mul3A_32 : i32 to vector<1x128xi32>
      %mul3A_34 = arith.muli %iota3A, %mul3A_33 : vector<1x128xi32>
      %broadcast_in_dim3A_35 = arith.constant 0 : i32
      %broadcast_in_dim3A_36 = vector.broadcast %broadcast_in_dim3A_35 : i32 to vector<4x512xi32>
      %broadcast_in_dim3A_37 = arith.constant 0 : i32
      %broadcast_in_dim3A_38 = vector.broadcast %broadcast_in_dim3A_37 : i32 to vector<1x128xi32>
      %le3A = arith.constant 0 : i32
      %le3A_39 = vector.broadcast %le3A : i32 to vector<1x128xi32>
      %le3A_40 = arith.cmpi sle, %le3A_39, %mul3A_34 : vector<1x128xi32>
      %convert_element_type3A_41 = arith.extui %le3A_40 : vector<1x128xi1> to vector<1x128xi32>
      %add3A_42 = arith.addi %broadcast_in_dim3A_38, %convert_element_type3A_41 : vector<1x128xi32>
      %eq3A_43 = arith.constant 0 : i32
      %eq3A_44 = vector.broadcast %eq3A_43 : i32 to vector<4x512xi32>
      %eq3A_45 = arith.cmpi eq, %get3A_28, %eq3A_44 : vector<4x512xi32>
      %add3A_46 = arith.constant 0 : i32
      %add3A_47 = vector.broadcast %add3A_46 : i32 to vector<4x512xi32>
      %add3A_48 = arith.addi %add3A_47, %get3A_31 : vector<4x512xi32>
      %select_n3A = arith.select %eq3A_45, %add3A_48, %broadcast_in_dim3A_36 : vector<4x512xi1>, vector<4x512xi32>
      %slice3A = vector.extract_strided_slice %get3A_12 {offsets = [0, 0], sizes = [1, 1], strides = [1, 1]} : vector<1x8xf32> to vector<1x1xf32>
      %squeeze3A = vector.extract %slice3A[0, 0] : f32 from vector<1x1xf32>
      %convert_element_type3A_49 = arith.fptosi %squeeze3A : f32 to i32
      %add3A_50 = arith.constant 256 : i32
      %add3A_51 = arith.addi %convert_element_type3A_49, %add3A_50 : i32
      %sub3A = arith.constant 1 : i32
      %sub3A_52 = arith.subi %add3A_51, %sub3A : i32
      %jit3A = arith.constant 256 : i32
      %div3A_53 = arith.divsi %sub3A_52, %jit3A : i32
      %sign3A = arith.constant 0 : i32
      %sign3A_54 = arith.cmpi sgt, %sub3A_52, %sign3A : i32
      %sign3A_55 = arith.extui %sign3A_54 : i1 to i32
      %sign3A_56 = arith.constant 0 : i32
      %sign3A_57 = arith.cmpi slt, %sub3A_52, %sign3A_56 : i32
      %sign3A_58 = arith.extui %sign3A_57 : i1 to i32
      %sign3A_59 = arith.subi %sign3A_55, %sign3A_58 : i32
      %sign3A_60 = arith.constant 0 : i32
      %sign3A_61 = arith.cmpi sgt, %jit3A, %sign3A_60 : i32
      %sign3A_62 = arith.extui %sign3A_61 : i1 to i32
      %sign3A_63 = arith.constant 0 : i32
      %sign3A_64 = arith.cmpi slt, %jit3A, %sign3A_63 : i32
      %sign3A_65 = arith.extui %sign3A_64 : i1 to i32
      %sign3A_66 = arith.subi %sign3A_62, %sign3A_65 : i32
      %ne3A = arith.cmpi ne, %sign3A_59, %sign3A_66 : i32
      %rem3A = arith.remsi %sub3A_52, %jit3A : i32
      %ne3A_67 = arith.constant 0 : i32
      %ne3A_68 = arith.cmpi ne, %rem3A, %ne3A_67 : i32
      %and3A = arith.andi %ne3A, %ne3A_68 : i1
      %sub3A_69 = arith.constant 1 : i32
      %sub3A_70 = arith.subi %div3A_53, %sub3A_69 : i32
      %select_n3A_71 = arith.select %and3A, %sub3A_70, %div3A_53 : i32
      %mul3A_72 = arith.constant 256 : i32
      %mul3A_73 = arith.muli %select_n3A_71, %mul3A_72 : i32
      %add3A_74 = arith.constant 0 : i32
      %add3A_75 = arith.addi %add3A_74, %mul3A_73 : i32
      %le3A_76 = vector.broadcast %add3A_75 : i32 to vector<1x128xi32>
      %le3A_77 = arith.cmpi sle, %le3A_76, %mul3A_34 : vector<1x128xi32>
      %convert_element_type3A_78 = arith.extui %le3A_77 : vector<1x128xi1> to vector<1x128xi32>
      %add3A_79 = arith.addi %add3A_42, %convert_element_type3A_78 : vector<1x128xi32>
      %eq3A_80 = arith.constant 1 : i32
      %eq3A_81 = vector.broadcast %eq3A_80 : i32 to vector<4x512xi32>
      %eq3A_82 = arith.cmpi eq, %get3A_28, %eq3A_81 : vector<4x512xi32>
      %add3A_83 = vector.broadcast %add3A_75 : i32 to vector<4x512xi32>
      %add3A_84 = arith.addi %add3A_83, %get3A_31 : vector<4x512xi32>
      %select_n3A_85 = arith.select %eq3A_82, %add3A_84, %select_n3A : vector<4x512xi1>, vector<4x512xi32>
      %slice3A_86 = vector.extract_strided_slice %get3A_12 {offsets = [0, 1], sizes = [1, 1], strides = [1, 1]} : vector<1x8xf32> to vector<1x1xf32>
      %squeeze3A_87 = vector.extract %slice3A_86[0, 0] : f32 from vector<1x1xf32>
      %convert_element_type3A_88 = arith.fptosi %squeeze3A_87 : f32 to i32
      %add3A_89 = arith.constant 256 : i32
      %add3A_90 = arith.addi %convert_element_type3A_88, %add3A_89 : i32
      %sub3A_91 = arith.constant 1 : i32
      %sub3A_92 = arith.subi %add3A_90, %sub3A_91 : i32
      %jit3A_93 = arith.constant 256 : i32
      %div3A_94 = arith.divsi %sub3A_92, %jit3A_93 : i32
      %sign3A_95 = arith.constant 0 : i32
      %sign3A_96 = arith.cmpi sgt, %sub3A_92, %sign3A_95 : i32
      %sign3A_97 = arith.extui %sign3A_96 : i1 to i32
      %sign3A_98 = arith.constant 0 : i32
      %sign3A_99 = arith.cmpi slt, %sub3A_92, %sign3A_98 : i32
      %sign3A_100 = arith.extui %sign3A_99 : i1 to i32
      %sign3A_101 = arith.subi %sign3A_97, %sign3A_100 : i32
      %sign3A_102 = arith.constant 0 : i32
      %sign3A_103 = arith.cmpi sgt, %jit3A_93, %sign3A_102 : i32
      %sign3A_104 = arith.extui %sign3A_103 : i1 to i32
      %sign3A_105 = arith.constant 0 : i32
      %sign3A_106 = arith.cmpi slt, %jit3A_93, %sign3A_105 : i32
      %sign3A_107 = arith.extui %sign3A_106 : i1 to i32
      %sign3A_108 = arith.subi %sign3A_104, %sign3A_107 : i32
      %ne3A_109 = arith.cmpi ne, %sign3A_101, %sign3A_108 : i32
      %rem3A_110 = arith.remsi %sub3A_92, %jit3A_93 : i32
      %ne3A_111 = arith.constant 0 : i32
      %ne3A_112 = arith.cmpi ne, %rem3A_110, %ne3A_111 : i32
      %and3A_113 = arith.andi %ne3A_109, %ne3A_112 : i1
      %sub3A_114 = arith.constant 1 : i32
      %sub3A_115 = arith.subi %div3A_94, %sub3A_114 : i32
      %select_n3A_116 = arith.select %and3A_113, %sub3A_115, %div3A_94 : i32
      %mul3A_117 = arith.constant 256 : i32
      %mul3A_118 = arith.muli %select_n3A_116, %mul3A_117 : i32
      %add3A_119 = arith.addi %add3A_75, %mul3A_118 : i32
      %le3A_120 = vector.broadcast %add3A_119 : i32 to vector<1x128xi32>
      %le3A_121 = arith.cmpi sle, %le3A_120, %mul3A_34 : vector<1x128xi32>
      %convert_element_type3A_122 = arith.extui %le3A_121 : vector<1x128xi1> to vector<1x128xi32>
      %add3A_123 = arith.addi %add3A_79, %convert_element_type3A_122 : vector<1x128xi32>
      %eq3A_124 = arith.constant 2 : i32
      %eq3A_125 = vector.broadcast %eq3A_124 : i32 to vector<4x512xi32>
      %eq3A_126 = arith.cmpi eq, %get3A_28, %eq3A_125 : vector<4x512xi32>
      %add3A_127 = vector.broadcast %add3A_119 : i32 to vector<4x512xi32>
      %add3A_128 = arith.addi %add3A_127, %get3A_31 : vector<4x512xi32>
      %select_n3A_129 = arith.select %eq3A_126, %add3A_128, %select_n3A_85 : vector<4x512xi1>, vector<4x512xi32>
      %slice3A_130 = vector.extract_strided_slice %get3A_12 {offsets = [0, 2], sizes = [1, 1], strides = [1, 1]} : vector<1x8xf32> to vector<1x1xf32>
      %squeeze3A_131 = vector.extract %slice3A_130[0, 0] : f32 from vector<1x1xf32>
      %convert_element_type3A_132 = arith.fptosi %squeeze3A_131 : f32 to i32
      %add3A_133 = arith.constant 256 : i32
      %add3A_134 = arith.addi %convert_element_type3A_132, %add3A_133 : i32
      %sub3A_135 = arith.constant 1 : i32
      %sub3A_136 = arith.subi %add3A_134, %sub3A_135 : i32
      %jit3A_137 = arith.constant 256 : i32
      %div3A_138 = arith.divsi %sub3A_136, %jit3A_137 : i32
      %sign3A_139 = arith.constant 0 : i32
      %sign3A_140 = arith.cmpi sgt, %sub3A_136, %sign3A_139 : i32
      %sign3A_141 = arith.extui %sign3A_140 : i1 to i32
      %sign3A_142 = arith.constant 0 : i32
      %sign3A_143 = arith.cmpi slt, %sub3A_136, %sign3A_142 : i32
      %sign3A_144 = arith.extui %sign3A_143 : i1 to i32
      %sign3A_145 = arith.subi %sign3A_141, %sign3A_144 : i32
      %sign3A_146 = arith.constant 0 : i32
      %sign3A_147 = arith.cmpi sgt, %jit3A_137, %sign3A_146 : i32
      %sign3A_148 = arith.extui %sign3A_147 : i1 to i32
      %sign3A_149 = arith.constant 0 : i32
      %sign3A_150 = arith.cmpi slt, %jit3A_137, %sign3A_149 : i32
      %sign3A_151 = arith.extui %sign3A_150 : i1 to i32
      %sign3A_152 = arith.subi %sign3A_148, %sign3A_151 : i32
      %ne3A_153 = arith.cmpi ne, %sign3A_145, %sign3A_152 : i32
      %rem3A_154 = arith.remsi %sub3A_136, %jit3A_137 : i32
      %ne3A_155 = arith.constant 0 : i32
      %ne3A_156 = arith.cmpi ne, %rem3A_154, %ne3A_155 : i32
      %and3A_157 = arith.andi %ne3A_153, %ne3A_156 : i1
      %sub3A_158 = arith.constant 1 : i32
      %sub3A_159 = arith.subi %div3A_138, %sub3A_158 : i32
      %select_n3A_160 = arith.select %and3A_157, %sub3A_159, %div3A_138 : i32
      %mul3A_161 = arith.constant 256 : i32
      %mul3A_162 = arith.muli %select_n3A_160, %mul3A_161 : i32
      %add3A_163 = arith.addi %add3A_119, %mul3A_162 : i32
      %le3A_164 = vector.broadcast %add3A_163 : i32 to vector<1x128xi32>
      %le3A_165 = arith.cmpi sle, %le3A_164, %mul3A_34 : vector<1x128xi32>
      %convert_element_type3A_166 = arith.extui %le3A_165 : vector<1x128xi1> to vector<1x128xi32>
      %add3A_167 = arith.addi %add3A_123, %convert_element_type3A_166 : vector<1x128xi32>
      %eq3A_168 = arith.constant 3 : i32
      %eq3A_169 = vector.broadcast %eq3A_168 : i32 to vector<4x512xi32>
      %eq3A_170 = arith.cmpi eq, %get3A_28, %eq3A_169 : vector<4x512xi32>
      %add3A_171 = vector.broadcast %add3A_163 : i32 to vector<4x512xi32>
      %add3A_172 = arith.addi %add3A_171, %get3A_31 : vector<4x512xi32>
      %select_n3A_173 = arith.select %eq3A_170, %add3A_172, %select_n3A_129 : vector<4x512xi1>, vector<4x512xi32>
      %slice3A_174 = vector.extract_strided_slice %get3A_12 {offsets = [0, 3], sizes = [1, 1], strides = [1, 1]} : vector<1x8xf32> to vector<1x1xf32>
      %squeeze3A_175 = vector.extract %slice3A_174[0, 0] : f32 from vector<1x1xf32>
      %convert_element_type3A_176 = arith.fptosi %squeeze3A_175 : f32 to i32
      %add3A_177 = arith.constant 256 : i32
      %add3A_178 = arith.addi %convert_element_type3A_176, %add3A_177 : i32
      %sub3A_179 = arith.constant 1 : i32
      %sub3A_180 = arith.subi %add3A_178, %sub3A_179 : i32
      %jit3A_181 = arith.constant 256 : i32
      %div3A_182 = arith.divsi %sub3A_180, %jit3A_181 : i32
      %sign3A_183 = arith.constant 0 : i32
      %sign3A_184 = arith.cmpi sgt, %sub3A_180, %sign3A_183 : i32
      %sign3A_185 = arith.extui %sign3A_184 : i1 to i32
      %sign3A_186 = arith.constant 0 : i32
      %sign3A_187 = arith.cmpi slt, %sub3A_180, %sign3A_186 : i32
      %sign3A_188 = arith.extui %sign3A_187 : i1 to i32
      %sign3A_189 = arith.subi %sign3A_185, %sign3A_188 : i32
      %sign3A_190 = arith.constant 0 : i32
      %sign3A_191 = arith.cmpi sgt, %jit3A_181, %sign3A_190 : i32
      %sign3A_192 = arith.extui %sign3A_191 : i1 to i32
      %sign3A_193 = arith.constant 0 : i32
      %sign3A_194 = arith.cmpi slt, %jit3A_181, %sign3A_193 : i32
      %sign3A_195 = arith.extui %sign3A_194 : i1 to i32
      %sign3A_196 = arith.subi %sign3A_192, %sign3A_195 : i32
      %ne3A_197 = arith.cmpi ne, %sign3A_189, %sign3A_196 : i32
      %rem3A_198 = arith.remsi %sub3A_180, %jit3A_181 : i32
      %ne3A_199 = arith.constant 0 : i32
      %ne3A_200 = arith.cmpi ne, %rem3A_198, %ne3A_199 : i32
      %and3A_201 = arith.andi %ne3A_197, %ne3A_200 : i1
      %sub3A_202 = arith.constant 1 : i32
      %sub3A_203 = arith.subi %div3A_182, %sub3A_202 : i32
      %select_n3A_204 = arith.select %and3A_201, %sub3A_203, %div3A_182 : i32
      %mul3A_205 = arith.constant 256 : i32
      %mul3A_206 = arith.muli %select_n3A_204, %mul3A_205 : i32
      %add3A_207 = arith.addi %add3A_163, %mul3A_206 : i32
      %le3A_208 = vector.broadcast %add3A_207 : i32 to vector<1x128xi32>
      %le3A_209 = arith.cmpi sle, %le3A_208, %mul3A_34 : vector<1x128xi32>
      %convert_element_type3A_210 = arith.extui %le3A_209 : vector<1x128xi1> to vector<1x128xi32>
      %add3A_211 = arith.addi %add3A_167, %convert_element_type3A_210 : vector<1x128xi32>
      %eq3A_212 = arith.constant 4 : i32
      %eq3A_213 = vector.broadcast %eq3A_212 : i32 to vector<4x512xi32>
      %eq3A_214 = arith.cmpi eq, %get3A_28, %eq3A_213 : vector<4x512xi32>
      %add3A_215 = vector.broadcast %add3A_207 : i32 to vector<4x512xi32>
      %add3A_216 = arith.addi %add3A_215, %get3A_31 : vector<4x512xi32>
      %select_n3A_217 = arith.select %eq3A_214, %add3A_216, %select_n3A_173 : vector<4x512xi1>, vector<4x512xi32>
      %slice3A_218 = vector.extract_strided_slice %get3A_12 {offsets = [0, 4], sizes = [1, 1], strides = [1, 1]} : vector<1x8xf32> to vector<1x1xf32>
      %squeeze3A_219 = vector.extract %slice3A_218[0, 0] : f32 from vector<1x1xf32>
      %convert_element_type3A_220 = arith.fptosi %squeeze3A_219 : f32 to i32
      %add3A_221 = arith.constant 256 : i32
      %add3A_222 = arith.addi %convert_element_type3A_220, %add3A_221 : i32
      %sub3A_223 = arith.constant 1 : i32
      %sub3A_224 = arith.subi %add3A_222, %sub3A_223 : i32
      %jit3A_225 = arith.constant 256 : i32
      %div3A_226 = arith.divsi %sub3A_224, %jit3A_225 : i32
      %sign3A_227 = arith.constant 0 : i32
      %sign3A_228 = arith.cmpi sgt, %sub3A_224, %sign3A_227 : i32
      %sign3A_229 = arith.extui %sign3A_228 : i1 to i32
      %sign3A_230 = arith.constant 0 : i32
      %sign3A_231 = arith.cmpi slt, %sub3A_224, %sign3A_230 : i32
      %sign3A_232 = arith.extui %sign3A_231 : i1 to i32
      %sign3A_233 = arith.subi %sign3A_229, %sign3A_232 : i32
      %sign3A_234 = arith.constant 0 : i32
      %sign3A_235 = arith.cmpi sgt, %jit3A_225, %sign3A_234 : i32
      %sign3A_236 = arith.extui %sign3A_235 : i1 to i32
      %sign3A_237 = arith.constant 0 : i32
      %sign3A_238 = arith.cmpi slt, %jit3A_225, %sign3A_237 : i32
      %sign3A_239 = arith.extui %sign3A_238 : i1 to i32
      %sign3A_240 = arith.subi %sign3A_236, %sign3A_239 : i32
      %ne3A_241 = arith.cmpi ne, %sign3A_233, %sign3A_240 : i32
      %rem3A_242 = arith.remsi %sub3A_224, %jit3A_225 : i32
      %ne3A_243 = arith.constant 0 : i32
      %ne3A_244 = arith.cmpi ne, %rem3A_242, %ne3A_243 : i32
      %and3A_245 = arith.andi %ne3A_241, %ne3A_244 : i1
      %sub3A_246 = arith.constant 1 : i32
      %sub3A_247 = arith.subi %div3A_226, %sub3A_246 : i32
      %select_n3A_248 = arith.select %and3A_245, %sub3A_247, %div3A_226 : i32
      %mul3A_249 = arith.constant 256 : i32
      %mul3A_250 = arith.muli %select_n3A_248, %mul3A_249 : i32
      %add3A_251 = arith.addi %add3A_207, %mul3A_250 : i32
      %le3A_252 = vector.broadcast %add3A_251 : i32 to vector<1x128xi32>
      %le3A_253 = arith.cmpi sle, %le3A_252, %mul3A_34 : vector<1x128xi32>
      %convert_element_type3A_254 = arith.extui %le3A_253 : vector<1x128xi1> to vector<1x128xi32>
      %add3A_255 = arith.addi %add3A_211, %convert_element_type3A_254 : vector<1x128xi32>
      %eq3A_256 = arith.constant 5 : i32
      %eq3A_257 = vector.broadcast %eq3A_256 : i32 to vector<4x512xi32>
      %eq3A_258 = arith.cmpi eq, %get3A_28, %eq3A_257 : vector<4x512xi32>
      %add3A_259 = vector.broadcast %add3A_251 : i32 to vector<4x512xi32>
      %add3A_260 = arith.addi %add3A_259, %get3A_31 : vector<4x512xi32>
      %select_n3A_261 = arith.select %eq3A_258, %add3A_260, %select_n3A_217 : vector<4x512xi1>, vector<4x512xi32>
      %slice3A_262 = vector.extract_strided_slice %get3A_12 {offsets = [0, 5], sizes = [1, 1], strides = [1, 1]} : vector<1x8xf32> to vector<1x1xf32>
      %squeeze3A_263 = vector.extract %slice3A_262[0, 0] : f32 from vector<1x1xf32>
      %convert_element_type3A_264 = arith.fptosi %squeeze3A_263 : f32 to i32
      %add3A_265 = arith.constant 256 : i32
      %add3A_266 = arith.addi %convert_element_type3A_264, %add3A_265 : i32
      %sub3A_267 = arith.constant 1 : i32
      %sub3A_268 = arith.subi %add3A_266, %sub3A_267 : i32
      %jit3A_269 = arith.constant 256 : i32
      %div3A_270 = arith.divsi %sub3A_268, %jit3A_269 : i32
      %sign3A_271 = arith.constant 0 : i32
      %sign3A_272 = arith.cmpi sgt, %sub3A_268, %sign3A_271 : i32
      %sign3A_273 = arith.extui %sign3A_272 : i1 to i32
      %sign3A_274 = arith.constant 0 : i32
      %sign3A_275 = arith.cmpi slt, %sub3A_268, %sign3A_274 : i32
      %sign3A_276 = arith.extui %sign3A_275 : i1 to i32
      %sign3A_277 = arith.subi %sign3A_273, %sign3A_276 : i32
      %sign3A_278 = arith.constant 0 : i32
      %sign3A_279 = arith.cmpi sgt, %jit3A_269, %sign3A_278 : i32
      %sign3A_280 = arith.extui %sign3A_279 : i1 to i32
      %sign3A_281 = arith.constant 0 : i32
      %sign3A_282 = arith.cmpi slt, %jit3A_269, %sign3A_281 : i32
      %sign3A_283 = arith.extui %sign3A_282 : i1 to i32
      %sign3A_284 = arith.subi %sign3A_280, %sign3A_283 : i32
      %ne3A_285 = arith.cmpi ne, %sign3A_277, %sign3A_284 : i32
      %rem3A_286 = arith.remsi %sub3A_268, %jit3A_269 : i32
      %ne3A_287 = arith.constant 0 : i32
      %ne3A_288 = arith.cmpi ne, %rem3A_286, %ne3A_287 : i32
      %and3A_289 = arith.andi %ne3A_285, %ne3A_288 : i1
      %sub3A_290 = arith.constant 1 : i32
      %sub3A_291 = arith.subi %div3A_270, %sub3A_290 : i32
      %select_n3A_292 = arith.select %and3A_289, %sub3A_291, %div3A_270 : i32
      %mul3A_293 = arith.constant 256 : i32
      %mul3A_294 = arith.muli %select_n3A_292, %mul3A_293 : i32
      %add3A_295 = arith.addi %add3A_251, %mul3A_294 : i32
      %le3A_296 = vector.broadcast %add3A_295 : i32 to vector<1x128xi32>
      %le3A_297 = arith.cmpi sle, %le3A_296, %mul3A_34 : vector<1x128xi32>
      %convert_element_type3A_298 = arith.extui %le3A_297 : vector<1x128xi1> to vector<1x128xi32>
      %add3A_299 = arith.addi %add3A_255, %convert_element_type3A_298 : vector<1x128xi32>
      %eq3A_300 = arith.constant 6 : i32
      %eq3A_301 = vector.broadcast %eq3A_300 : i32 to vector<4x512xi32>
      %eq3A_302 = arith.cmpi eq, %get3A_28, %eq3A_301 : vector<4x512xi32>
      %add3A_303 = vector.broadcast %add3A_295 : i32 to vector<4x512xi32>
      %add3A_304 = arith.addi %add3A_303, %get3A_31 : vector<4x512xi32>
      %select_n3A_305 = arith.select %eq3A_302, %add3A_304, %select_n3A_261 : vector<4x512xi1>, vector<4x512xi32>
      %slice3A_306 = vector.extract_strided_slice %get3A_12 {offsets = [0, 6], sizes = [1, 1], strides = [1, 1]} : vector<1x8xf32> to vector<1x1xf32>
      %squeeze3A_307 = vector.extract %slice3A_306[0, 0] : f32 from vector<1x1xf32>
      %convert_element_type3A_308 = arith.fptosi %squeeze3A_307 : f32 to i32
      %add3A_309 = arith.constant 256 : i32
      %add3A_310 = arith.addi %convert_element_type3A_308, %add3A_309 : i32
      %sub3A_311 = arith.constant 1 : i32
      %sub3A_312 = arith.subi %add3A_310, %sub3A_311 : i32
      %jit3A_313 = arith.constant 256 : i32
      %div3A_314 = arith.divsi %sub3A_312, %jit3A_313 : i32
      %sign3A_315 = arith.constant 0 : i32
      %sign3A_316 = arith.cmpi sgt, %sub3A_312, %sign3A_315 : i32
      %sign3A_317 = arith.extui %sign3A_316 : i1 to i32
      %sign3A_318 = arith.constant 0 : i32
      %sign3A_319 = arith.cmpi slt, %sub3A_312, %sign3A_318 : i32
      %sign3A_320 = arith.extui %sign3A_319 : i1 to i32
      %sign3A_321 = arith.subi %sign3A_317, %sign3A_320 : i32
      %sign3A_322 = arith.constant 0 : i32
      %sign3A_323 = arith.cmpi sgt, %jit3A_313, %sign3A_322 : i32
      %sign3A_324 = arith.extui %sign3A_323 : i1 to i32
      %sign3A_325 = arith.constant 0 : i32
      %sign3A_326 = arith.cmpi slt, %jit3A_313, %sign3A_325 : i32
      %sign3A_327 = arith.extui %sign3A_326 : i1 to i32
      %sign3A_328 = arith.subi %sign3A_324, %sign3A_327 : i32
      %ne3A_329 = arith.cmpi ne, %sign3A_321, %sign3A_328 : i32
      %rem3A_330 = arith.remsi %sub3A_312, %jit3A_313 : i32
      %ne3A_331 = arith.constant 0 : i32
      %ne3A_332 = arith.cmpi ne, %rem3A_330, %ne3A_331 : i32
      %and3A_333 = arith.andi %ne3A_329, %ne3A_332 : i1
      %sub3A_334 = arith.constant 1 : i32
      %sub3A_335 = arith.subi %div3A_314, %sub3A_334 : i32
      %select_n3A_336 = arith.select %and3A_333, %sub3A_335, %div3A_314 : i32
      %mul3A_337 = arith.constant 256 : i32
      %mul3A_338 = arith.muli %select_n3A_336, %mul3A_337 : i32
      %add3A_339 = arith.addi %add3A_295, %mul3A_338 : i32
      %le3A_340 = vector.broadcast %add3A_339 : i32 to vector<1x128xi32>
      %le3A_341 = arith.cmpi sle, %le3A_340, %mul3A_34 : vector<1x128xi32>
      %convert_element_type3A_342 = arith.extui %le3A_341 : vector<1x128xi1> to vector<1x128xi32>
      %add3A_343 = arith.addi %add3A_299, %convert_element_type3A_342 : vector<1x128xi32>
      %eq3A_344 = arith.constant 7 : i32
      %eq3A_345 = vector.broadcast %eq3A_344 : i32 to vector<4x512xi32>
      %eq3A_346 = arith.cmpi eq, %get3A_28, %eq3A_345 : vector<4x512xi32>
      %add3A_347 = vector.broadcast %add3A_339 : i32 to vector<4x512xi32>
      %add3A_348 = arith.addi %add3A_347, %get3A_31 : vector<4x512xi32>
      %select_n3A_349 = arith.select %eq3A_346, %add3A_348, %select_n3A_305 : vector<4x512xi1>, vector<4x512xi32>
      %slice3A_350 = vector.extract_strided_slice %get3A_12 {offsets = [0, 7], sizes = [1, 1], strides = [1, 1]} : vector<1x8xf32> to vector<1x1xf32>
      %squeeze3A_351 = vector.extract %slice3A_350[0, 0] : f32 from vector<1x1xf32>
      %convert_element_type3A_352 = arith.fptosi %squeeze3A_351 : f32 to i32
      %add3A_353 = arith.constant 256 : i32
      %add3A_354 = arith.addi %convert_element_type3A_352, %add3A_353 : i32
      %sub3A_355 = arith.constant 1 : i32
      %sub3A_356 = arith.subi %add3A_354, %sub3A_355 : i32
      %jit3A_357 = arith.constant 256 : i32
      %div3A_358 = arith.divsi %sub3A_356, %jit3A_357 : i32
      %sign3A_359 = arith.constant 0 : i32
      %sign3A_360 = arith.cmpi sgt, %sub3A_356, %sign3A_359 : i32
      %sign3A_361 = arith.extui %sign3A_360 : i1 to i32
      %sign3A_362 = arith.constant 0 : i32
      %sign3A_363 = arith.cmpi slt, %sub3A_356, %sign3A_362 : i32
      %sign3A_364 = arith.extui %sign3A_363 : i1 to i32
      %sign3A_365 = arith.subi %sign3A_361, %sign3A_364 : i32
      %sign3A_366 = arith.constant 0 : i32
      %sign3A_367 = arith.cmpi sgt, %jit3A_357, %sign3A_366 : i32
      %sign3A_368 = arith.extui %sign3A_367 : i1 to i32
      %sign3A_369 = arith.constant 0 : i32
      %sign3A_370 = arith.cmpi slt, %jit3A_357, %sign3A_369 : i32
      %sign3A_371 = arith.extui %sign3A_370 : i1 to i32
      %sign3A_372 = arith.subi %sign3A_368, %sign3A_371 : i32
      %ne3A_373 = arith.cmpi ne, %sign3A_365, %sign3A_372 : i32
      %rem3A_374 = arith.remsi %sub3A_356, %jit3A_357 : i32
      %ne3A_375 = arith.constant 0 : i32
      %ne3A_376 = arith.cmpi ne, %rem3A_374, %ne3A_375 : i32
      %and3A_377 = arith.andi %ne3A_373, %ne3A_376 : i1
      %sub3A_378 = arith.constant 1 : i32
      %sub3A_379 = arith.subi %div3A_358, %sub3A_378 : i32
      %select_n3A_380 = arith.select %and3A_377, %sub3A_379, %div3A_358 : i32
      %mul3A_381 = arith.constant 256 : i32
      %mul3A_382 = arith.muli %select_n3A_380, %mul3A_381 : i32
      %add3A_383 = arith.addi %add3A_339, %mul3A_382 : i32
      %reshape3A = vector.shape_cast %select_n3A_349 : vector<4x512xi32> to vector<1x2048xi32>
      %swap3A_384 = arith.constant 0 : index
      %swap3A_385 = arith.constant 0 : index
      %swap3A_386 = vector.load %arg4[%swap3A_384, %swap3A_385] : memref<1x2048xi32, #tpu.memory_space<vmem>>, vector<1x2048xi32>
      tpu.vector_store %arg4[%swap3A_384, %swap3A_385], %reshape3A {strides = array<i32>} : memref<1x2048xi32, #tpu.memory_space<vmem>>, vector<1x2048xi32>,
      %sub3A_387 = arith.constant 1 : i32
      %sub3A_388 = vector.broadcast %sub3A_387 : i32 to vector<1x128xi32>
      %sub3A_389 = arith.subi %add3A_343, %sub3A_388 : vector<1x128xi32>
      %swap3A_390 = arith.constant 0 : index
      %swap3A_391 = arith.constant 0 : index
      %swap3A_392 = vector.load %arg5[%swap3A_390, %swap3A_391] : memref<1x128xi32, #tpu.memory_space<vmem>>, vector<1x128xi32>
      tpu.vector_store %arg5[%swap3A_390, %swap3A_391], %sub3A_389 {strides = array<i32>} : memref<1x128xi32, #tpu.memory_space<vmem>>, vector<1x128xi32>,
      %lt3A_393 = vector.broadcast %add3A_383 : i32 to vector<1x128xi32>
      %lt3A_394 = arith.cmpi slt, %mul3A_34, %lt3A_393 : vector<1x128xi32>
      %convert_element_type3A_395 = arith.extui %lt3A_394 : vector<1x128xi1> to vector<1x128xi32>
      %swap3A_396 = arith.constant 0 : index
      %swap3A_397 = arith.constant 0 : index
      %swap3A_398 = vector.load %arg6[%swap3A_396, %swap3A_397] : memref<1x128xi32, #tpu.memory_space<vmem>>, vector<1x128xi32>
      tpu.vector_store %arg6[%swap3A_396, %swap3A_397], %convert_element_type3A_395 {strides = array<i32>} : memref<1x128xi32, #tpu.memory_space<vmem>>, vector<1x128xi32>,
    } else {
    }
    return
  }
  func.func @transform_0(%arg0: i32) -> (i32, i32, i32) {
    %min3A = arith.constant 3 : i32
    %min3A_0 = arith.minsi %arg0, %min3A : i32
    %c0_i32 = arith.constant 0 : i32
    %c0_i32_1 = arith.constant 0 : i32
    %c0_i32_2 = arith.constant 0 : i32
    return %c0_i32, %min3A_0, %c0_i32_1 : i32, i32, i32
  }
  func.func @transform_1(%arg0: i32) -> (i32, i32) {
    %c0_i32 = arith.constant 0 : i32
    %c0_i32_0 = arith.constant 0 : i32
    %c0_i32_1 = arith.constant 0 : i32
    return %c0_i32, %c0_i32_0 : i32, i32
  }
  func.func @transform_2(%arg0: i32) -> (i32, i32) {
    %c0_i32 = arith.constant 0 : i32
    %c0_i32_0 = arith.constant 0 : i32
    %c0_i32_1 = arith.constant 0 : i32
    return %c0_i32, %c0_i32_0 : i32, i32
  }
  func.func @transform_3(%arg0: i32) -> (i32, i32) {
    %c0_i32 = arith.constant 0 : i32
    %c0_i32_0 = arith.constant 0 : i32
    %c0_i32_1 = arith.constant 0 : i32
    return %c0_i32, %c0_i32_0 : i32, i32
  }
  func.func @transform_4(%arg0: i32) -> (i32, i32) {
    %c0_i32 = arith.constant 0 : i32
    %c0_i32_0 = arith.constant 0 : i32
    %c0_i32_1 = arith.constant 0 : i32
    return %c0_i32, %c0_i32_0 : i32, i32
  }
  func.func @transform_5(%arg0: i32) -> (i32, i32) {
    %c0_i32 = arith.constant 0 : i32
    %c0_i32_0 = arith.constant 0 : i32
    %c0_i32_1 = arith.constant 0 : i32
    return %c0_i32, %c0_i32_0 : i32, i32
  }
  func.func @transform_6(%arg0: i32) -> (i32, i32) {
    %c0_i32 = arith.constant 0 : i32
    %c0_i32_0 = arith.constant 0 : i32
    %c0_i32_1 = arith.constant 0 : i32
    return %c0_i32, %c0_i32_0 : i32, i32
  }
}

</mosaic_0001>

<sc_bundles>
// kernel: kernel.6.cloned.1.call-start
scs
__scs_entry_jumppad:
0x0: {  	(pc) =	sbr.rel $0x88, $3  }
0x1: {  	(tag) =	ssettag $0x0;
	lr =	simm.s32 $0x1  }
0x2: {  	[smem:$0x3F98] =	sst lr;
	_ =	strace $0xD0000000  }
0x3: {  	_ = 	snop  }
0x4: {  	_ = 	snop  }
0x5: {  	_ = 	snop  }
0x6: {  	_ = 	snop  }
0x7: {  	_ = 	snop  }
__scs_overlays_trampoline_lowered:
0x8: {  	[smem:$0x3FA7] =	sst s0  }
0x9: {  	[smem:$0x3FA8] =	sst s1  }
0xa: {  	[smem:$0x3FA9] =	sst s2  }
0xb: {  	[smem:$0x3FAA] =	sst s3  }
0xc: {  	[smem:$0x3FAB] =	sst s4  }
0xd: {  	[smem:$0x3FAC] =	sst s5  }
0xe: {  	[smem:$0x3FAD] =	sst s6  }
0xf: {  	[smem:$0x3FAE] =	sst s7  }
0x10: {  	[smem:$0x3FAF] =	sst s8  }
0x11: {  	[smem:$0x3FB0] =	sst s9;
	s0 =	simm.s32 @!p0 $0x0  }
0x12: {  	s1 =	sld [smem:$0x3F96];
	s0 =	simm.s32 @p0 $0x1  }
0x13: {  	[smem:$0x3FB1] =	sst s0;
	s0 =	simm.s32 @!p1 $0x0  }
0x14: {  	s2 =	sld [smem:$0x3F95];
	s0 =	simm.s32 @p1 $0x1  }
0x15: {  	[smem:$0x3FB2] =	sst s0;
	s0 =	simm.s32 @!p2 $0x0  }
0x16: {  	s3 =	sld [smem:$0x3FDB];
	s0 =	simm.s32 @p2 $0x1  }
0x17: {  	s4 =	simm.s32 $0x1BF5;
	[smem:$0x3FB4] =	sst s0  }
0x18: {  	s0 =	sld [smem:$0x3F97];
	_ =	swait.ge [sflag:s4], $0x0  }
0x19: {  	s7 =	sld [smem:$0x3F98]  }
0x1a: {  	s8 =	sadd.s32 $0xFFFFE003, lr  }
0x1b: {  	s9 =	sadd.s32 $0xFFFFFEF7, lr;
	s5 =	simm.s32 $0xFFFFFFFF;
	p2 =	slt.u32 s8, $0xFFFFF086  }
0x1c: {  	p1 =	slt.u32 s9, $0xF7A;
	s5 =	simm.s32 @!p2 $0x0  }
0x1d: {  	s5 =	simm.s32 @p1 $0x1;
	p0 =	seq.s32 s7, s2  }
0x1e: {  	s7 =	smul.u32 @!p0 $0xF7A, s2;
	p2 =	seq.s32 @!p0 s5, $0x0  }
0x1f: {  	s9 =	smul.u32 $0xF7A, s1;
	s8 =	simm.s32 @!p0 $0x1BF5;
	p2 =	por !p2, p0  }
0x20: {  	[sflag:s8] =	ssyncset.s32 @!p0 $0xFFFFF086;
	s6 =	sadd.s32 @!p0 s3, s7;
	s7 =	simm.s32 @!p0 $0x108  }
0x21: {  	s3 =	sadd.s32 s3, s9;
	s6 =	sadd.s32 @!p0 $0x88, s6;
	s7 =	simm.s32 @p2 $0x1082  }
0x22: {  	[simem:s7], [sflag:s8] =	dma.local @!p0 [hbm:s6], $0xF7A  }
0x23: {  	s9 =	sor.u32 $0xD0000000, s2;
	s6 =	simm.s32 $0x108;
	_ =	swait.ge @!p0 [sflag:s8], $0x0  }
0x24: {  	s3 =	sadd.s32 $0x88, s3;
	s6 =	simm.s32 @!p1 $0x1082;
	[sflag:s4] =	ssyncset.s32 $0xFFFFF086  }
0x25: {  	[simem:s6], [sflag:s4] =	dma.local [hbm:s3], $0xF7A  }
0x26: {  	[smem:$0x3F98] =	sst s1;
	(tag) =	ssettag s2;
	_ =	strace s9  }
0x27: {  	s1 =	sld [smem:$0x3FA8]  }
0x28: {  	s2 =	sld [smem:$0x3FA9]  }
0x29: {  	s4 =	sld [smem:$0x3FAB]  }
0x2a: {  	p0 =	seq.s32 s5, $0x0;
	s5 =	sld [smem:$0x3FAC]  }
0x2b: {  	s6 =	sld [smem:$0x3FAD]  }
0x2c: {  	s7 =	sld [smem:$0x3FAE]  }
0x2d: {  	s3 =	simm.s32 $0x108;
	s8 =	sld [smem:$0x3FAF]  }
0x2e: {  	s3 =	simm.s32 @!p0 $0x1082;
	s9 =	sld [smem:$0x3FB0]  }
0x2f: {  	lr =	sadd.s32 s0, s3;
	s0 =	sld [smem:$0x3FA7]  }
0x30: {  	s3 =	sld [smem:$0x3FAA]  }
0x31: {  	[smem:$0x3FB3] =	sst s10  }
0x32: {  	s10 =	sld [smem:$0x3FB1];
	_ =	sdelay $0x3  }
0x33: {  	p0 =	seq.s32 s10, $0x1;
	s10 =	sld [smem:$0x3FB3];
	_ =	sdelay $0x3  }
0x34: {  	[smem:$0x3FB3] =	sst s10  }
0x35: {  	s10 =	sld [smem:$0x3FB2];
	_ =	sdelay $0x3  }
0x36: {  	p1 =	seq.s32 s10, $0x1;
	s10 =	sld [smem:$0x3FB3];
	_ =	sdelay $0x3  }
0x37: {  	[smem:$0x3FB3] =	sst s10  }
0x38: {  	s10 =	sld [smem:$0x3FB4]  }
0x39: {  	_ = 	snop;
	(pc) =	sbr.ind lr, $3  }
0x3a: {  	_ = 	snop  }
0x3b: {  	_ = 	snop  }
0x3c: {  	p2 =	seq.s32 s10, $0x1;
	s10 =	sld [smem:$0x3FB3]  }
0x3d: {  	_ =	shalt  }
0x3e: {  	_ =	shalt  }
0x3f: {  	_ =	shalt  }
0x40: {  	_ =	shalt  }
0x41: {  	_ =	shalt  }
0x42: {  	_ =	shalt  }
0x43: {  	_ =	shalt  }
0x44: {  	_ =	shalt  }
0x45: {  	_ =	shalt  }
0x46: {  	_ =	shalt  }
0x47: {  	_ =	shalt  }
0x48: {  	_ =	shalt  }
0x49: {  	_ =	shalt  }
0x4a: {  	_ =	shalt  }
0x4b: {  	_ =	shalt  }
0x4c: {  	_ =	shalt  }
0x4d: {  	_ =	shalt  }
0x4e: {  	_ =	shalt  }
0x4f: {  	_ =	shalt  }
0x50: {  	_ =	shalt  }
0x51: {  	_ =	shalt  }
0x52: {  	_ =	shalt  }
0x53: {  	_ =	shalt  }
0x54: {  	_ =	shalt  }
0x55: {  	_ =	shalt  }
0x56: {  	_ =	shalt  }
0x57: {  	_ =	shalt  }
0x58: {  	_ =	shalt  }
0x59: {  	_ =	shalt  }
0x5a: {  	_ =	shalt  }
0x5b: {  	_ =	shalt  }
0x5c: {  	_ =	shalt  }
0x5d: {  	_ =	shalt  }
0x5e: {  	_ =	shalt  }
0x5f: {  	_ =	shalt  }
0x60: {  	_ =	shalt  }
0x61: {  	_ =	shalt  }
0x62: {  	_ =	shalt  }
0x63: {  	_ =	shalt  }
0x64: {  	_ =	shalt  }
0x65: {  	_ =	shalt  }
0x66: {  	_ =	shalt  }
0x67: {  	_ =	shalt  }
0x68: {  	_ =	shalt  }
0x69: {  	_ =	shalt  }
0x6a: {  	_ =	shalt  }
0x6b: {  	_ =	shalt  }
0x6c: {  	_ =	shalt  }
0x6d: {  	_ =	shalt  }
0x6e: {  	_ =	shalt  }
0x6f: {  	_ =	shalt  }
0x70: {  	_ =	shalt  }
0x71: {  	_ =	shalt  }
0x72: {  	_ =	shalt  }
0x73: {  	_ =	shalt  }
0x74: {  	_ =	shalt  }
0x75: {  	_ =	shalt  }
0x76: {  	_ =	shalt  }
0x77: {  	_ =	shalt  }
0x78: {  	_ =	shalt  }
0x79: {  	_ =	shalt  }
0x7a: {  	_ =	shalt  }
0x7b: {  	_ =	shalt  }
0x7c: {  	_ =	shalt  }
0x7d: {  	_ =	shalt  }
0x7e: {  	_ =	shalt  }
0x7f: {  	_ =	shalt  }
0x80: {  	_ =	shalt  }
0x81: {  	_ =	shalt  }
0x82: {  	_ =	shalt  }
0x83: {  	_ =	shalt  }
0x84: {  	_ =	shalt  }
0x85: {  	_ =	shalt  }
0x86: {  	_ =	shalt  }
0x87: {  	_ =	shalt  }
.Lfunc_end0:
.L_simem_size_0:
called_computation_lowered:
.L_overlay_start_0:
0x88: {  	s2 =	sld [smem:$0x3FD9]  }
0x89: {  	s3 =	sld [smem:$0x3FFE];
	_ =	sdelay $0x1  }
0x8a: {  	s1 =	srdreg.scid  }
0x8b: {  	s0 =	sand.u32 $0x1, s1  }
0x8c: {  	s17 =	sshll.u32 s0, $0xA;
	s2 =	sadd.s32 s3, s2  }
0x8d: {  	s2 =	sadd.s32 s2, s17  }
0x8e: {  	[smem:$0x3FBF] =	sst s2  }
0x8f: {  	_ = 	snop  }
0x90: {  	s2 =	sld [smem:$0x3FC9];
	(tm) =	ssettm $0x1  }
0x91: {  	s18 =	sld [smem:$0x3FFB];
	_ =	sdelay $0x3  }
0x92: {  	_ =	strace s18  }
0x93: {  	s3 =	sld [smem:$0x3FFC];
	_ =	sdelay $0x3  }
0x94: {  	_ =	strace s3  }
0x95: {  	s3 =	sld [smem:$0x3FFD];
	_ =	sdelay $0x3  }
0x96: {  	_ =	strace s3  }
0x97: {  	_ =	strace $0x8FFFFFFF  }
0x98: {  	s19 =	sld [smem:$0x3FDB];
	_ =	sdelay $0x1  }
0x99: {  	s4 =	simm.s32 $_scs_section_size  }
0x9a: {  	s5 =	simm.s32 $_size__tile_overlayer_lowered;
	s6 =	simm.s32 $_tile_overlayer_lowered  }
0x9b: {  	s22 =	simm.s32 $0x1BFF;
	s21 =	sshll.u32 s6, $0x1;
	s3 =	sadd.s32 s4, s19  }
0x9c: {  	s7 =	simm.s32 $0x0;
	s20 =	sshll.u32 s5, $0x1;
	s5 =	sadd.s32 s21, s3  }
0x9d: {  	[timem:s7], [sflag:s22] =	dma.local [hbm:s5], s20  }
0x9e: {  	_ =	swait.ge [sflag:s22], s20  }
0x9f: {  	s4 =	ssub.s32 $0x0, s20;
	[sflag:s22] =	ssyncset.done $0x0  }
0xa0: {  	[sflag:s22] =	ssyncadd.s32 s4;
	_ =	sdelay $0x1  }
0xa1: {  	s23 =	simm.s32 $0x1B8B  }
0xa2: {  	_ =	swait.ge [sflag:s23], $0x1  }
0xa3: {  	[sflag:s23] =	ssyncset.done $0x0  }
0xa4: {  	s25 =	simm.s32 $0x1B8E;
	s24 =	sld [smem:$0x3FFE];
	[sflag:s23] =	ssyncadd.s32 $0xFFFFFFFF  }
0xa5: {  	s26 =	simm.s32 $execute0_lowered;
	[smem:$0x3FD2] =	sst s25  }
0xa6: {  	s5 =	sshll.u32 s26, $0x1;
	_ =	strace $0x80000046;
	[dreg:$0x1] =	wrdreg $0xFFFFFFFF  }
0xa7: {  	s28 =	simm.s32 $_size_execute0_lowered;
	s3 =	sadd.s32 s3, s5;
	[dreg:$0x0] =	wrdreg $0x0  }
0xa8: {  	s5 =	sshll.u32 s28, $0x1;
	[dreg:$0x2] =	wrdreg s3  }
0xa9: {  	[dreg:$0x3] =	wrdreg s5  }
0xaa: {  	[dreg:$0x4] =	wrdreg $0xC0  }
0xab: {  	_ =	task [dreg:s7], $0x5FFFF  }
0xac: {  	[dreg:$0x1] =	wrdreg $0xFFFFFFFF  }
0xad: {  	[dreg:$0x0] =	wrdreg $0x60  }
0xae: {  	[dreg:$0x2] =	wrdreg s24  }
0xaf: {  	[dreg:$0x3] =	wrdreg s2  }
0xb0: {  	[dreg:$0x4] =	wrdreg $0x9  }
0xb1: {  	_ =	task.clear_ibuf [dreg:s7], $0x5FFFF;
	_ =	strace $0x90000046  }
0xb2: {  	s29 =	simm.s32 $0x9;
	_ =	strace $0x80000048  }
0xb3: {  	_ =	swait.ge [sflag:s29], $0x1  }
0xb4: {  	[sflag:s29] =	ssyncadd.s32 $0xFFFFFFFF  }
0xb5: {  	_ =	strace $0x90000048  }
0xb6: {  	_ =	sfence  }
0xb7: {  	s30 =	sld [smem:$0x0];
	_ =	sdelay $0x2  }
0xb8: {  	s31 =	sshll.u32 s1, $0xD;
	s1 =	sshrl.u32 s1, $0x2  }
0xb9: {  	s3 =	sand.u32 $0x4000, s31;
	s1 =	sadd.s32 s1, s30  }
0xba: {  	s0 =	sor.u32 s3, s0;
	s1 =	sshll.u32 s1, $0x11  }
0xbb: {  	s0 =	sor.u32 s1, s0  }
0xbc: {  	s0 =	sadd.s32 $0x8F2B, s0  }
0xbd: {  	[sflag:s0] =	ssyncadd.remote.s32 $0x1  }
0xbe: {  	_ =	sfence.sel $0xFFFF  }
0xbf: {  	[dreg:$0x0] =	wrdreg $0xFFFFFFFF;
	(pc) =	sbr.abs _section_cstart, $3  }
0xc0: {  	[dreg:$0x1] =	wrdreg $0xFFFFFFFF  }
0xc1: {  	_ =	task.clear_ibuf [dreg:s7], $0x2FFFF;
	_ =	strace $0x9FFFFFFF  }
0xc2: {  	(tm) =	ssettm $0x7FFFFFFF  }
0xc3: {  	_ =	shalt  }
tec
execute0_lowered:
.L_overlay_start_1:
0x0: {  	(tag) =	ssettag $0x1  }
0x1: {  	s1 =	srdreg.scid  }
0x2: {  	s5 =	rddreg [dreg:$0x0];
	s0 =	stileid.u32  }
0x3: {  	s3 =	rddreg [dreg:$0x1];
	s2 =	simm.s32 $0x0;
	s8 =	simm.s32 $0x80  }
0x4: {  	s26 =	simm.s32 $0x880;
	s9 =	simm.s32 $0x1080;
	s10 =	simm.s32 $0x1880  }
0x5: {  	s11 =	simm.s32 $0x2080;
	s12 =	simm.s32 $0x2880;
	s13 =	simm.s32 $0x3080  }
0x6: {  	s14 =	simm.s32 $0x3880;
	s15 =	simm.s32 $0x4080;
	s16 =	simm.s32 $0x4880  }
0x7: {  	s17 =	simm.s32 $0x5080;
	s18 =	simm.s32 $0x5880;
	s19 =	simm.s32 $0x6080  }
0x8: {  	s20 =	simm.s32 $0x6880;
	s21 =	simm.s32 $0x7080;
	s22 =	simm.s32 $0x7880  }
0x9: {  	s23 =	simm.s32 $0x8080;
	s24 =	simm.s32 $0x8880;
	s25 =	simm.s32 $0x9080  }
0xa: {  	s28 =	simm.s32 $0xA080;
	s29 =	simm.s32 $0xA880;
	s30 =	simm.s32 $0xB080  }
0xb: {  	s31 =	simm.s32 $0xB880;
	s1 =	sand.u32 $0x1, s1;
	[smem:$0x7FF] =	sst s2  }
0xc: {  	s4 =	sshll.u32 s0, $0x4;
	s6 =	sshll.u32 s1, $0x3;
	_ =	strace $0x80000047  }
0xd: {  	s1 =	ssub.s32 $0x2, s1;
	[dreg:$0x5] =	wrdreg s26;
	s4 =	sor.u32 s6, s4  }
0xe: {  	s7 =	sshrl.u32 s1, $0x1;
	s6 =	sadd.s32 s4, s5;
	s4 =	smul.u32 $0x300, s4  }
0xf: {  	s26 =	simm.s32 $0x9880;
	s1 =	ssub.s32 s1, s7;
	s6 =	sadd.s32 $0x1A00, s6  }
0x10: {  	v2 =	vlaneseq.u32;
	s7 =	simm.s32 $0x2;
	[dreg:$0x3] =	wrdreg s6;
	s4 =	sadd.s32 s3, s4  }
0x11: {  	vm0 =	vmmov $0xffff;
	v1 =	vshrl.u32 v2, $0x3;
	s3 =	sadd.s32 $0x1C00, s5;
	s6 =	smax.u32 s1, $0x1;
	s1 =	simm.s32 $0x1  }
0x12: {  	v0 =	vand.u32 $0x7, v2;
	v2 =	vor.u32 $0x8, v2;
	v1 =	vmul.u32 $0x8, v1;
	[dreg:$0x4] =	wrdreg s4;
	s4 =	sadd.s32 $0x1D00, s5;
	s5 =	sadd.s32 $0x1E00, s5  }
.LBB2_1:
0x13: {  	s0 =	rddreg [dreg:$0x3]  }
0x14: {  	[tilespmem:s2], [sflag:$0x2] =	stream.linear.gather [hbm4b:s0+s2], $0x40, $0x38;
	[tilespmem:$0xC080] =	vst v63  }
0x15: {  	_ =	swait.ge [sflag:s7], $0x40  }
0x16: {  	[sflag:s7] =	ssyncset.done $0x0  }
0x17: {  	s0 =	rddreg [dreg:$0x4];
	[sflag:s7] =	ssyncadd.s32 $0xFFFFFFC0  }
0x18: {  	[tilespmem:s8], [sflag:$0x2] =	stream.linear.gather [hbm4b:s0+s2], $0xC000, $0x38;
	[tilespmem:$0xC080] =	vst v63  }
0x19: {  	_ =	swait.ge [sflag:s7], $0xC000  }
0x1a: {  	[sflag:s7] =	ssyncset.done $0x0  }
0x1b: {  	[sflag:s7] =	ssyncadd.s32 $0xFFFF4000  }
0x1c: {  	v3 =	vld [tilespmem:$0x0];
	_ =	sdelay $0x4  }
0x1d: {  	v4 =	vshrl.u32 v3, $0x3  }
0x1e: {  	v4 =	vmul.u32 $0x30, v4  }
0x1f: {  	v3 =	vand.u32 $0x7, v3  }
0x20: {  	v3 =	vor.u32 v3, v4  }
0x21: {  	v4 =	vperm.xlane v3, v0;
	_ =	sdelay $0x1  }
0x22: {  	v4 =	vadd.s32 v1, v4;
	_ =	sdelay $0x3  }
0x23: {  	v3 =	vperm.xlane v3, v2  }
0x24: {  	[hbm4b:s3+s2] =	stream.indirect_vreg.scatter [tilespmem:s8], [sflag:$0x1], $0x80, v4, vm0, $0xb8;
	[tilespmem:$0xC080] =	vst v63  }
0x25: {  	s0 =	rddreg [dreg:$0x5];
	v3 =	vadd.s32 v1, v3  }
0x26: {  	[hbm4b:s4+s2] =	stream.indirect_vreg.scatter [tilespmem:s0], [sflag:$0x1], $0x80, v4, vm0, $0xb8;
	[tilespmem:$0xC080] =	vst v63  }
0x27: {  	_ = 	snop  }
0x28: {  	[hbm4b:s5+s2] =	stream.indirect_vreg.scatter [tilespmem:s9], [sflag:$0x1], $0x80, v4, vm0, $0xb8;
	[tilespmem:$0xC080] =	vst v63  }
0x29: {  	_ = 	snop  }
0x2a: {  	[hbm4b:s3+s2] =	stream.indirect_vreg.scatter [tilespmem:s10], [sflag:$0x1], $0x80, v3, vm0, $0xb8;
	[tilespmem:$0xC080] =	vst v63  }
0x2b: {  	_ = 	snop  }
0x2c: {  	[hbm4b:s4+s2] =	stream.indirect_vreg.scatter [tilespmem:s11], [sflag:$0x1], $0x80, v3, vm0, $0xb8;
	[tilespmem:$0xC080] =	vst v63  }
0x2d: {  	_ = 	snop  }
0x2e: {  	[hbm4b:s5+s2] =	stream.indirect_vreg.scatter [tilespmem:s12], [sflag:$0x1], $0x80, v3, vm0, $0xb8;
	[tilespmem:$0xC080] =	vst v63  }
0x2f: {  	v3 =	vld [tilespmem:$0x10];
	_ =	sdelay $0x4  }
0x30: {  	v61 =	vshrl.u32 v3, $0x3  }
0x31: {  	v4 =	vmul.u32 $0x30, v61  }
0x32: {  	v3 =	vand.u32 $0x7, v3  }
0x33: {  	v3 =	vor.u32 v3, v4  }
0x34: {  	v4 =	vperm.xlane v3, v0;
	_ =	sdelay $0x1  }
0x35: {  	v4 =	vadd.s32 v1, v4;
	_ =	sdelay $0x3  }
0x36: {  	v3 =	vperm.xlane v3, v2  }
0x37: {  	[hbm4b:s3+s2] =	stream.indirect_vreg.scatter [tilespmem:s13], [sflag:$0x1], $0x80, v4, vm0, $0xb8;
	[tilespmem:$0xC080] =	vst v63  }
0x38: {  	v3 =	vadd.s32 v1, v3  }
0x39: {  	[hbm4b:s4+s2] =	stream.indirect_vreg.scatter [tilespmem:s14], [sflag:$0x1], $0x80, v4, vm0, $0xb8;
	[tilespmem:$0xC080] =	vst v63  }
0x3a: {  	_ = 	snop  }
0x3b: {  	[hbm4b:s5+s2] =	stream.indirect_vreg.scatter [tilespmem:s15], [sflag:$0x1], $0x80, v4, vm0, $0xb8;
	[tilespmem:$0xC080] =	vst v63  }
0x3c: {  	_ = 	snop  }
0x3d: {  	[hbm4b:s3+s2] =	stream.indirect_vreg.scatter [tilespmem:s16], [sflag:$0x1], $0x80, v3, vm0, $0xb8;
	[tilespmem:$0xC080] =	vst v63  }
0x3e: {  	_ = 	snop  }
0x3f: {  	[hbm4b:s4+s2] =	stream.indirect_vreg.scatter [tilespmem:s17], [sflag:$0x1], $0x80, v3, vm0, $0xb8;
	[tilespmem:$0xC080] =	vst v63  }
0x40: {  	_ = 	snop  }
0x41: {  	[hbm4b:s5+s2] =	stream.indirect_vreg.scatter [tilespmem:s18], [sflag:$0x1], $0x80, v3, vm0, $0xb8;
	[tilespmem:$0xC080] =	vst v63  }
0x42: {  	v3 =	vld [tilespmem:$0x20];
	_ =	sdelay $0x4  }
0x43: {  	v62 =	vshrl.u32 v3, $0x3  }
0x44: {  	v4 =	vmul.u32 $0x30, v62  }
0x45: {  	v3 =	vand.u32 $0x7, v3  }
0x46: {  	v3 =	vor.u32 v3, v4  }
0x47: {  	v4 =	vperm.xlane v3, v0;
	_ =	sdelay $0x1  }
0x48: {  	v4 =	vadd.s32 v1, v4;
	_ =	sdelay $0x3  }
0x49: {  	v3 =	vperm.xlane v3, v2  }
0x4a: {  	[hbm4b:s3+s2] =	stream.indirect_vreg.scatter [tilespmem:s19], [sflag:$0x1], $0x80, v4, vm0, $0xb8;
	[tilespmem:$0xC080] =	vst v63  }
0x4b: {  	v3 =	vadd.s32 v1, v3  }
0x4c: {  	[hbm4b:s4+s2] =	stream.indirect_vreg.scatter [tilespmem:s20], [sflag:$0x1], $0x80, v4, vm0, $0xb8;
	[tilespmem:$0xC080] =	vst v63  }
0x4d: {  	_ = 	snop  }
0x4e: {  	[hbm4b:s5+s2] =	stream.indirect_vreg.scatter [tilespmem:s21], [sflag:$0x1], $0x80, v4, vm0, $0xb8;
	[tilespmem:$0xC080] =	vst v63  }
0x4f: {  	_ = 	snop  }
0x50: {  	[hbm4b:s3+s2] =	stream.indirect_vreg.scatter [tilespmem:s22], [sflag:$0x1], $0x80, v3, vm0, $0xb8;
	[tilespmem:$0xC080] =	vst v63  }
0x51: {  	_ = 	snop  }
0x52: {  	[hbm4b:s4+s2] =	stream.indirect_vreg.scatter [tilespmem:s23], [sflag:$0x1], $0x80, v3, vm0, $0xb8;
	[tilespmem:$0xC080] =	vst v63  }
0x53: {  	_ = 	snop  }
0x54: {  	[hbm4b:s5+s2] =	stream.indirect_vreg.scatter [tilespmem:s24], [sflag:$0x1], $0x80, v3, vm0, $0xb8;
	[tilespmem:$0xC080] =	vst v63  }
0x55: {  	v3 =	vld [tilespmem:$0x30];
	_ =	sdelay $0x4  }
0x56: {  	v63 =	vshrl.u32 v3, $0x3  }
0x57: {  	v4 =	vmul.u32 $0x30, v63  }
0x58: {  	v3 =	vand.u32 $0x7, v3  }
0x59: {  	v3 =	vor.u32 v3, v4  }
0x5a: {  	v4 =	vperm.xlane v3, v0;
	_ =	sdelay $0x1  }
0x5b: {  	v4 =	vadd.s32 v1, v4;
	_ =	sdelay $0x3  }
0x5c: {  	v3 =	vperm.xlane v3, v2  }
0x5d: {  	[hbm4b:s3+s2] =	stream.indirect_vreg.scatter [tilespmem:s25], [sflag:$0x1], $0x80, v4, vm0, $0xb8;
	[tilespmem:$0xC080] =	vst v63  }
0x5e: {  	v3 =	vadd.s32 v1, v3  }
0x5f: {  	[hbm4b:s4+s2] =	stream.indirect_vreg.scatter [tilespmem:s26], [sflag:$0x1], $0x80, v4, vm0, $0xb8;
	[tilespmem:$0xC080] =	vst v63  }
0x60: {  	_ = 	snop  }
0x61: {  	[hbm4b:s5+s2] =	stream.indirect_vreg.scatter [tilespmem:s28], [sflag:$0x1], $0x80, v4, vm0, $0xb8;
	[tilespmem:$0xC080] =	vst v63  }
0x62: {  	_ = 	snop  }
0x63: {  	[hbm4b:s3+s2] =	stream.indirect_vreg.scatter [tilespmem:s29], [sflag:$0x1], $0x80, v3, vm0, $0xb8;
	[tilespmem:$0xC080] =	vst v63  }
0x64: {  	p0 =	sne.s32 s6, $0x1  }
0x65: {  	[hbm4b:s4+s2] =	stream.indirect_vreg.scatter [tilespmem:s30], [sflag:$0x1], $0x80, v3, vm0, $0xb8;
	[tilespmem:$0xC080] =	vst v63  }
.Ltmp0:
0x66: {  	_ = 	snop;
	(pc) =	sbr.rel @p0 .LBB2_1-.Ltmp0, $4  }
0x67: {  	[hbm4b:s5+s2] =	stream.indirect_vreg.scatter [tilespmem:s31], [sflag:$0x1], $0x80, v3, vm0, $0xb8;
	[tilespmem:$0xC080] =	vst v63  }
0x68: {  	_ =	swait.ge [sflag:s1], $0xC000  }
0x69: {  	[sflag:s1] =	ssyncset.done $0x0  }
0x6a: {  	s6 =	sadd.s32 $0xFFFFFFFF, s6;
	[sflag:s1] =	ssyncadd.s32 $0xFFFF4000  }
0x6b: {  	_ =	sfence.sel $0x180000  }
0x6c: {  	[bflag:$0x0] =	sbarrier.arrive $0xFFFF  }
0x6d: {  	_ =	strace $0x90000047  }
0x6e: {  	s0 =	stileid.u32;
	[bflag:$0x2] =	sbarrier.arrive $0xFFFF  }
0x6f: {  	p0 =	sne.s32 s0, $0x0;
	s0 =	rddreg [dreg:$0x2]  }
0x70: {  	s0 =	sadd.s32 @!p0 $0x100000, s0  }
0x71: {  	[sflag:s0] =	ssyncadd.tile.s32 @!p0 $0x1;
	_ =	shalt  }
.Lfunc_end2:
_tile_overlayer_lowered:
.L_overlay_start_2:
0x72: {  	(tag) =	ssettag $0x2  }
0x73: {  	s0 =	rddreg [dreg:$0x0];
	s2 =	stileid.u32  }
0x74: {  	s1 =	rddreg [dreg:$0x1];
	p0 =	sne.s32 s2, $0x0  }
0x75: {  	s3 =	rddreg [dreg:$0x2];
	[bflag:$0x3] =	sbarrier.arrive $0xFFFF;
	s2 =	simm.s32 @!p0 $0x1C02  }
0x76: {  	[timem:s3], [sflag:s2] =	dma.local @!p0 [hbm:s0], s1  }
0x77: {  	s0 =	simm.s32 @!p0 $0x2  }
0x78: {  	_ =	swait.ge @!p0 [sflag:s0], s1  }
0x79: {  	s1 =	ssub.s32 @!p0 $0x0, s1;
	[sflag:s0] =	ssyncset.done @!p0 $0x0  }
0x7a: {  	[sflag:s0] =	ssyncadd.s32 @!p0 s1  }
0x7b: {  	[bflag:$0x3] =	sbarrier.arrive $0xFFFF  }
0x7c: {  	_ =	shalt  }

// kernel: kernel.9.cloned.1.call-start
scs
__scs_entry_jumppad:
0x0: {  	(pc) =	sbr.rel $0x88, $3  }
0x1: {  	(tag) =	ssettag $0x0;
	lr =	simm.s32 $0x1  }
0x2: {  	[smem:$0x3F98] =	sst lr;
	_ =	strace $0xD0000000  }
0x3: {  	_ = 	snop  }
0x4: {  	_ = 	snop  }
0x5: {  	_ = 	snop  }
0x6: {  	_ = 	snop  }
0x7: {  	_ = 	snop  }
__scs_overlays_trampoline_lowered:
0x8: {  	[smem:$0x3FA7] =	sst s0  }
0x9: {  	[smem:$0x3FA8] =	sst s1  }
0xa: {  	[smem:$0x3FA9] =	sst s2  }
0xb: {  	[smem:$0x3FAA] =	sst s3  }
0xc: {  	[smem:$0x3FAB] =	sst s4  }
0xd: {  	[smem:$0x3FAC] =	sst s5  }
0xe: {  	[smem:$0x3FAD] =	sst s6  }
0xf: {  	[smem:$0x3FAE] =	sst s7  }
0x10: {  	[smem:$0x3FAF] =	sst s8  }
0x11: {  	[smem:$0x3FB0] =	sst s9;
	s0 =	simm.s32 @!p0 $0x0  }
0x12: {  	s1 =	sld [smem:$0x3F96];
	s0 =	simm.s32 @p0 $0x1  }
0x13: {  	[smem:$0x3FB1] =	sst s0;
	s0 =	simm.s32 @!p1 $0x0  }
0x14: {  	s2 =	sld [smem:$0x3F95];
	s0 =	simm.s32 @p1 $0x1  }
0x15: {  	[smem:$0x3FB2] =	sst s0;
	s0 =	simm.s32 @!p2 $0x0  }
0x16: {  	s3 =	sld [smem:$0x3FDB];
	s0 =	simm.s32 @p2 $0x1  }
0x17: {  	s4 =	simm.s32 $0x1BF5;
	[smem:$0x3FB4] =	sst s0  }
0x18: {  	s0 =	sld [smem:$0x3F97];
	_ =	swait.ge [sflag:s4], $0x0  }
0x19: {  	s7 =	sld [smem:$0x3F98]  }
0x1a: {  	s8 =	sadd.s32 $0xFFFFE003, lr  }
0x1b: {  	s9 =	sadd.s32 $0xFFFFFEF7, lr;
	s5 =	simm.s32 $0xFFFFFFFF;
	p2 =	slt.u32 s8, $0xFFFFF086  }
0x1c: {  	p1 =	slt.u32 s9, $0xF7A;
	s5 =	simm.s32 @!p2 $0x0  }
0x1d: {  	s5 =	simm.s32 @p1 $0x1;
	p0 =	seq.s32 s7, s2  }
0x1e: {  	s7 =	smul.u32 @!p0 $0xF7A, s2;
	p2 =	seq.s32 @!p0 s5, $0x0  }
0x1f: {  	s9 =	smul.u32 $0xF7A, s1;
	s8 =	simm.s32 @!p0 $0x1BF5;
	p2 =	por !p2, p0  }
0x20: {  	[sflag:s8] =	ssyncset.s32 @!p0 $0xFFFFF086;
	s6 =	sadd.s32 @!p0 s3, s7;
	s7 =	simm.s32 @!p0 $0x108  }
0x21: {  	s3 =	sadd.s32 s3, s9;
	s6 =	sadd.s32 @!p0 $0x88, s6;
	s7 =	simm.s32 @p2 $0x1082  }
0x22: {  	[simem:s7], [sflag:s8] =	dma.local @!p0 [hbm:s6], $0xF7A  }
0x23: {  	s9 =	sor.u32 $0xD0000000, s2;
	s6 =	simm.s32 $0x108;
	_ =	swait.ge @!p0 [sflag:s8], $0x0  }
0x24: {  	s3 =	sadd.s32 $0x88, s3;
	s6 =	simm.s32 @!p1 $0x1082;
	[sflag:s4] =	ssyncset.s32 $0xFFFFF086  }
0x25: {  	[simem:s6], [sflag:s4] =	dma.local [hbm:s3], $0xF7A  }
0x26: {  	[smem:$0x3F98] =	sst s1;
	(tag) =	ssettag s2;
	_ =	strace s9  }
0x27: {  	s1 =	sld [smem:$0x3FA8]  }
0x28: {  	s2 =	sld [smem:$0x3FA9]  }
0x29: {  	s4 =	sld [smem:$0x3FAB]  }
0x2a: {  	p0 =	seq.s32 s5, $0x0;
	s5 =	sld [smem:$0x3FAC]  }
0x2b: {  	s6 =	sld [smem:$0x3FAD]  }
0x2c: {  	s7 =	sld [smem:$0x3FAE]  }
0x2d: {  	s3 =	simm.s32 $0x108;
	s8 =	sld [smem:$0x3FAF]  }
0x2e: {  	s3 =	simm.s32 @!p0 $0x1082;
	s9 =	sld [smem:$0x3FB0]  }
0x2f: {  	lr =	sadd.s32 s0, s3;
	s0 =	sld [smem:$0x3FA7]  }
0x30: {  	s3 =	sld [smem:$0x3FAA]  }
0x31: {  	[smem:$0x3FB3] =	sst s10  }
0x32: {  	s10 =	sld [smem:$0x3FB1];
	_ =	sdelay $0x3  }
0x33: {  	p0 =	seq.s32 s10, $0x1;
	s10 =	sld [smem:$0x3FB3];
	_ =	sdelay $0x3  }
0x34: {  	[smem:$0x3FB3] =	sst s10  }
0x35: {  	s10 =	sld [smem:$0x3FB2];
	_ =	sdelay $0x3  }
0x36: {  	p1 =	seq.s32 s10, $0x1;
	s10 =	sld [smem:$0x3FB3];
	_ =	sdelay $0x3  }
0x37: {  	[smem:$0x3FB3] =	sst s10  }
0x38: {  	s10 =	sld [smem:$0x3FB4]  }
0x39: {  	_ = 	snop;
	(pc) =	sbr.ind lr, $3  }
0x3a: {  	_ = 	snop  }
0x3b: {  	_ = 	snop  }
0x3c: {  	p2 =	seq.s32 s10, $0x1;
	s10 =	sld [smem:$0x3FB3]  }
0x3d: {  	_ =	shalt  }
0x3e: {  	_ =	shalt  }
0x3f: {  	_ =	shalt  }
0x40: {  	_ =	shalt  }
0x41: {  	_ =	shalt  }
0x42: {  	_ =	shalt  }
0x43: {  	_ =	shalt  }
0x44: {  	_ =	shalt  }
0x45: {  	_ =	shalt  }
0x46: {  	_ =	shalt  }
0x47: {  	_ =	shalt  }
0x48: {  	_ =	shalt  }
0x49: {  	_ =	shalt  }
0x4a: {  	_ =	shalt  }
0x4b: {  	_ =	shalt  }
0x4c: {  	_ =	shalt  }
0x4d: {  	_ =	shalt  }
0x4e: {  	_ =	shalt  }
0x4f: {  	_ =	shalt  }
0x50: {  	_ =	shalt  }
0x51: {  	_ =	shalt  }
0x52: {  	_ =	shalt  }
0x53: {  	_ =	shalt  }
0x54: {  	_ =	shalt  }
0x55: {  	_ =	shalt  }
0x56: {  	_ =	shalt  }
0x57: {  	_ =	shalt  }
0x58: {  	_ =	shalt  }
0x59: {  	_ =	shalt  }
0x5a: {  	_ =	shalt  }
0x5b: {  	_ =	shalt  }
0x5c: {  	_ =	shalt  }
0x5d: {  	_ =	shalt  }
0x5e: {  	_ =	shalt  }
0x5f: {  	_ =	shalt  }
0x60: {  	_ =	shalt  }
0x61: {  	_ =	shalt  }
0x62: {  	_ =	shalt  }
0x63: {  	_ =	shalt  }
0x64: {  	_ =	shalt  }
0x65: {  	_ =	shalt  }
0x66: {  	_ =	shalt  }
0x67: {  	_ =	shalt  }
0x68: {  	_ =	shalt  }
0x69: {  	_ =	shalt  }
0x6a: {  	_ =	shalt  }
0x6b: {  	_ =	shalt  }
0x6c: {  	_ =	shalt  }
0x6d: {  	_ =	shalt  }
0x6e: {  	_ =	shalt  }
0x6f: {  	_ =	shalt  }
0x70: {  	_ =	shalt  }
0x71: {  	_ =	shalt  }
0x72: {  	_ =	shalt  }
0x73: {  	_ =	shalt  }
0x74: {  	_ =	shalt  }
0x75: {  	_ =	shalt  }
0x76: {  	_ =	shalt  }
0x77: {  	_ =	shalt  }
0x78: {  	_ =	shalt  }
0x79: {  	_ =	shalt  }
0x7a: {  	_ =	shalt  }
0x7b: {  	_ =	shalt  }
0x7c: {  	_ =	shalt  }
0x7d: {  	_ =	shalt  }
0x7e: {  	_ =	shalt  }
0x7f: {  	_ =	shalt  }
0x80: {  	_ =	shalt  }
0x81: {  	_ =	shalt  }
0x82: {  	_ =	shalt  }
0x83: {  	_ =	shalt  }
0x84: {  	_ =	shalt  }
0x85: {  	_ =	shalt  }
0x86: {  	_ =	shalt  }
0x87: {  	_ =	shalt  }
.Lfunc_end0:
.L_simem_size_0:
called_computation.1_lowered:
.L_overlay_start_0:
0x88: {  	s2 =	sld [smem:$0x3FD9]  }
0x89: {  	s3 =	sld [smem:$0x3FFE];
	_ =	sdelay $0x1  }
0x8a: {  	s1 =	srdreg.scid  }
0x8b: {  	s0 =	sand.u32 $0x1, s1  }
0x8c: {  	s14 =	sshll.u32 s0, $0xA;
	s2 =	sadd.s32 s3, s2  }
0x8d: {  	s2 =	sadd.s32 s2, s14  }
0x8e: {  	[smem:$0x3FBF] =	sst s2  }
0x8f: {  	_ = 	snop  }
0x90: {  	s2 =	sld [smem:$0x3FD0];
	_ =	sdelay $0x2  }
0x91: {  	s15 =	simm.s32 $0xA;
	s4 =	simm.s32 $0x10  }
0x92: {  	[smem:s4], [sflag:s15] =	dma.local [hbm:s2], $0x1  }
0x93: {  	_ =	swait.eq [sflag:s15], $0x1  }
0x94: {  	[sflag:s15] =	ssyncset.done $0x0  }
0x95: {  	[sflag:s15] =	ssyncadd.s32 $0xFFFFFFFF  }
0x96: {  	s16 =	sld [smem:$0x10];
	(tm) =	ssettm $0x1  }
0x97: {  	s17 =	sld [smem:$0x3FFB];
	_ =	sdelay $0x3  }
0x98: {  	_ =	strace s17  }
0x99: {  	s3 =	sld [smem:$0x3FFC];
	_ =	sdelay $0x3  }
0x9a: {  	_ =	strace s3  }
0x9b: {  	s3 =	sld [smem:$0x3FFD];
	_ =	sdelay $0x3  }
0x9c: {  	_ =	strace s3  }
0x9d: {  	_ =	strace $0x8FFFFFFF  }
0x9e: {  	s18 =	sld [smem:$0x3FDB];
	_ =	sdelay $0x1  }
0x9f: {  	s19 =	simm.s32 $_scs_section_size  }
0xa0: {  	s5 =	simm.s32 $_size__tile_overlayer_lowered;
	s6 =	simm.s32 $_tile_overlayer_lowered  }
0xa1: {  	s22 =	simm.s32 $0x1BFF;
	s21 =	sshll.u32 s6, $0x1;
	s3 =	sadd.s32 s19, s18  }
0xa2: {  	s7 =	simm.s32 $0x0;
	s20 =	sshll.u32 s5, $0x1;
	s5 =	sadd.s32 s21, s3  }
0xa3: {  	[timem:s7], [sflag:s22] =	dma.local [hbm:s5], s20  }
0xa4: {  	_ =	swait.ge [sflag:s22], s20  }
0xa5: {  	s4 =	ssub.s32 $0x0, s20;
	[sflag:s22] =	ssyncset.done $0x0  }
0xa6: {  	[sflag:s22] =	ssyncadd.s32 s4;
	_ =	sdelay $0x1  }
0xa7: {  	s23 =	simm.s32 $0x1B8B  }
0xa8: {  	_ =	swait.ge [sflag:s23], $0x1  }
0xa9: {  	[sflag:s23] =	ssyncset.done $0x0  }
0xaa: {  	s25 =	simm.s32 $0x1B8E;
	s24 =	sld [smem:$0x3FFE];
	[sflag:s23] =	ssyncadd.s32 $0xFFFFFFFF  }
0xab: {  	s26 =	simm.s32 $execute0_lowered;
	[smem:$0x3FD2] =	sst s25  }
0xac: {  	s5 =	sshll.u32 s26, $0x1;
	_ =	strace $0x80000049;
	[dreg:$0x1] =	wrdreg $0xFFFFFFFF  }
0xad: {  	s28 =	simm.s32 $_size_execute0_lowered;
	s3 =	sadd.s32 s3, s5;
	[dreg:$0x0] =	wrdreg $0x0  }
0xae: {  	s5 =	sshll.u32 s28, $0x1;
	[dreg:$0x2] =	wrdreg s3  }
0xaf: {  	[dreg:$0x3] =	wrdreg s5  }
0xb0: {  	[dreg:$0x4] =	wrdreg $0xC0  }
0xb1: {  	_ =	task [dreg:s7], $0x5FFFF  }
0xb2: {  	[dreg:$0x1] =	wrdreg $0xFFFFFFFF  }
0xb3: {  	[dreg:$0x0] =	wrdreg $0x60  }
0xb4: {  	[dreg:$0x2] =	wrdreg s24  }
0xb5: {  	[dreg:$0x3] =	wrdreg s16  }
0xb6: {  	[dreg:$0x4] =	wrdreg $0x9  }
0xb7: {  	_ =	task.clear_ibuf [dreg:s7], $0x5FFFF;
	_ =	strace $0x90000049  }
0xb8: {  	s29 =	simm.s32 $0x9;
	_ =	strace $0x8000004B  }
0xb9: {  	_ =	swait.ge [sflag:s29], $0x1  }
0xba: {  	[sflag:s29] =	ssyncadd.s32 $0xFFFFFFFF  }
0xbb: {  	_ =	strace $0x9000004B  }
0xbc: {  	_ =	sfence  }
0xbd: {  	s30 =	sld [smem:$0x0];
	_ =	sdelay $0x2  }
0xbe: {  	s31 =	sshll.u32 s1, $0xD;
	s1 =	sshrl.u32 s1, $0x2  }
0xbf: {  	s3 =	sand.u32 $0x4000, s31;
	s1 =	sadd.s32 s1, s30  }
0xc0: {  	s0 =	sor.u32 s3, s0;
	s1 =	sshll.u32 s1, $0x11  }
0xc1: {  	s0 =	sor.u32 s1, s0  }
0xc2: {  	s0 =	sadd.s32 $0x8F2B, s0  }
0xc3: {  	[sflag:s0] =	ssyncadd.remote.s32 $0x1  }
0xc4: {  	_ =	sfence.sel $0xFFFF  }
0xc5: {  	[dreg:$0x0] =	wrdreg $0xFFFFFFFF;
	(pc) =	sbr.abs _section_cstart, $3  }
0xc6: {  	[dreg:$0x1] =	wrdreg $0xFFFFFFFF  }
0xc7: {  	_ =	task.clear_ibuf [dreg:s7], $0x2FFFF;
	_ =	strace $0x9FFFFFFF  }
0xc8: {  	(tm) =	ssettm $0x7FFFFFFF  }
0xc9: {  	_ =	shalt  }
tec
execute0_lowered:
.L_overlay_start_1:
0x0: {  	(tag) =	ssettag $0x1  }
0x1: {  	s0 =	rddreg [dreg:$0x0]  }
0x2: {  	s5 =	rddreg [dreg:$0x1];
	s3 =	srdreg.scid  }
0x3: {  	s2 =	simm.s32 $0x0;
	s1 =	stileid.u32;
	s26 =	simm.s32 $0x880  }
0x4: {  	s10 =	simm.s32 $0x1880;
	s11 =	simm.s32 $0x2080;
	s12 =	simm.s32 $0x2880  }
0x5: {  	s13 =	simm.s32 $0x3080;
	s14 =	simm.s32 $0x3880;
	s15 =	simm.s32 $0x4080  }
0x6: {  	s16 =	simm.s32 $0x4880;
	s17 =	simm.s32 $0x5080;
	s18 =	simm.s32 $0x5880  }
0x7: {  	s19 =	simm.s32 $0x6080;
	s20 =	simm.s32 $0x6880;
	s21 =	simm.s32 $0x7080  }
0x8: {  	s22 =	simm.s32 $0x7880;
	s28 =	simm.s32 $0xA080;
	s29 =	simm.s32 $0xA880  }
0x9: {  	s30 =	simm.s32 $0xB080;
	s31 =	simm.s32 $0xB880;
	s3 =	sand.u32 $0x1, s3  }
0xa: {  	[smem:$0x7FF] =	sst s2;
	s4 =	sshll.u32 s1, $0x4;
	s6 =	sshll.u32 s3, $0x3  }
0xb: {  	_ =	strace $0x8000004A;
	s23 =	ssub.s32 $0x2, s3;
	s3 =	sadd.s32 $0x1C00, s0  }
0xc: {  	[dreg:$0x5] =	wrdreg s26;
	s26 =	simm.s32 $0x9880;
	s4 =	sor.u32 s6, s4  }
0xd: {  	s8 =	sshrl.u32 s23, $0x1;
	s7 =	sadd.s32 s4, s0;
	s9 =	smul.u32 $0x300, s4  }
0xe: {  	s6 =	ssub.s32 s23, s8;
	s4 =	sadd.s32 $0x1D00, s0;
	s8 =	simm.s32 $0x80  }
0xf: {  	s23 =	simm.s32 $0x8080;
	s24 =	sadd.s32 $0x1A00, s7;
	s6 =	smax.u32 s6, $0x1  }
0x10: {  	v2 =	vlaneseq.u32;
	s7 =	simm.s32 $0x2;
	[dreg:$0x3] =	wrdreg s24;
	s25 =	sadd.s32 s5, s9  }
0x11: {  	vm0 =	vmmov $0xffff;
	v1 =	vshrl.u32 v2, $0x3;
	s5 =	sadd.s32 $0x1E00, s0;
	s9 =	simm.s32 $0x1080;
	s24 =	simm.s32 $0x8880  }
0x12: {  	v0 =	vand.u32 $0x7, v2;
	v2 =	vor.u32 $0x8, v2;
	v1 =	vmul.u32 $0x8, v1;
	s0 =	simm.s32 $0x1;
	[dreg:$0x4] =	wrdreg s25;
	s25 =	simm.s32 $0x9080  }
.LBB2_1:
0x13: {  	s1 =	rddreg [dreg:$0x3]  }
0x14: {  	[tilespmem:s2], [sflag:$0x2] =	stream.linear.gather [hbm4b:s1+s2], $0x40, $0x38;
	[tilespmem:$0xC080] =	vst v63  }
0x15: {  	_ =	swait.ge [sflag:s7], $0x40  }
0x16: {  	[sflag:s7] =	ssyncset.done $0x0  }
0x17: {  	[sflag:s7] =	ssyncadd.s32 $0xFFFFFFC0  }
0x18: {  	v3 =	vld [tilespmem:$0x0];
	_ =	sdelay $0x4  }
0x19: {  	v4 =	vshrl.u32 v3, $0x3  }
0x1a: {  	v4 =	vmul.u32 $0x30, v4  }
0x1b: {  	v3 =	vand.u32 $0x7, v3  }
0x1c: {  	v3 =	vor.u32 v3, v4  }
0x1d: {  	v4 =	vperm.xlane v3, v0;
	_ =	sdelay $0x1  }
0x1e: {  	v4 =	vadd.s32 v1, v4;
	_ =	sdelay $0x3  }
0x1f: {  	v3 =	vperm.xlane v3, v2  }
0x20: {  	[tilespmem:s8], [sflag:$0x1] =	stream.indirect_vreg.gather [hbm4b:s3+s2], $0x80, v4, vm0, $0xb8;
	[tilespmem:$0xC080] =	vst v63  }
0x21: {  	s1 =	rddreg [dreg:$0x5];
	v3 =	vadd.s32 v1, v3  }
0x22: {  	[tilespmem:s1], [sflag:$0x1] =	stream.indirect_vreg.gather [hbm4b:s4+s2], $0x80, v4, vm0, $0xb8;
	[tilespmem:$0xC080] =	vst v63  }
0x23: {  	_ = 	snop  }
0x24: {  	[tilespmem:s9], [sflag:$0x1] =	stream.indirect_vreg.gather [hbm4b:s5+s2], $0x80, v4, vm0, $0xb8;
	[tilespmem:$0xC080] =	vst v63  }
0x25: {  	_ = 	snop  }
0x26: {  	[tilespmem:s10], [sflag:$0x1] =	stream.indirect_vreg.gather [hbm4b:s3+s2], $0x80, v3, vm0, $0xb8;
	[tilespmem:$0xC080] =	vst v63  }
0x27: {  	_ = 	snop  }
0x28: {  	[tilespmem:s11], [sflag:$0x1] =	stream.indirect_vreg.gather [hbm4b:s4+s2], $0x80, v3, vm0, $0xb8;
	[tilespmem:$0xC080] =	vst v63  }
0x29: {  	_ = 	snop  }
0x2a: {  	[tilespmem:s12], [sflag:$0x1] =	stream.indirect_vreg.gather [hbm4b:s5+s2], $0x80, v3, vm0, $0xb8;
	[tilespmem:$0xC080] =	vst v63  }
0x2b: {  	v3 =	vld [tilespmem:$0x10];
	_ =	sdelay $0x4  }
0x2c: {  	v61 =	vshrl.u32 v3, $0x3  }
0x2d: {  	v4 =	vmul.u32 $0x30, v61  }
0x2e: {  	v3 =	vand.u32 $0x7, v3  }
0x2f: {  	v3 =	vor.u32 v3, v4  }
0x30: {  	v4 =	vperm.xlane v3, v0;
	_ =	sdelay $0x1  }
0x31: {  	v4 =	vadd.s32 v1, v4;
	_ =	sdelay $0x3  }
0x32: {  	v3 =	vperm.xlane v3, v2  }
0x33: {  	[tilespmem:s13], [sflag:$0x1] =	stream.indirect_vreg.gather [hbm4b:s3+s2], $0x80, v4, vm0, $0xb8;
	[tilespmem:$0xC080] =	vst v63  }
0x34: {  	v3 =	vadd.s32 v1, v3  }
0x35: {  	[tilespmem:s14], [sflag:$0x1] =	stream.indirect_vreg.gather [hbm4b:s4+s2], $0x80, v4, vm0, $0xb8;
	[tilespmem:$0xC080] =	vst v63  }
0x36: {  	_ = 	snop  }
0x37: {  	[tilespmem:s15], [sflag:$0x1] =	stream.indirect_vreg.gather [hbm4b:s5+s2], $0x80, v4, vm0, $0xb8;
	[tilespmem:$0xC080] =	vst v63  }
0x38: {  	_ = 	snop  }
0x39: {  	[tilespmem:s16], [sflag:$0x1] =	stream.indirect_vreg.gather [hbm4b:s3+s2], $0x80, v3, vm0, $0xb8;
	[tilespmem:$0xC080] =	vst v63  }
0x3a: {  	_ = 	snop  }
0x3b: {  	[tilespmem:s17], [sflag:$0x1] =	stream.indirect_vreg.gather [hbm4b:s4+s2], $0x80, v3, vm0, $0xb8;
	[tilespmem:$0xC080] =	vst v63  }
0x3c: {  	_ = 	snop  }
0x3d: {  	[tilespmem:s18], [sflag:$0x1] =	stream.indirect_vreg.gather [hbm4b:s5+s2], $0x80, v3, vm0, $0xb8;
	[tilespmem:$0xC080] =	vst v63  }
0x3e: {  	v3 =	vld [tilespmem:$0x20];
	_ =	sdelay $0x4  }
0x3f: {  	v62 =	vshrl.u32 v3, $0x3  }
0x40: {  	v4 =	vmul.u32 $0x30, v62  }
0x41: {  	v3 =	vand.u32 $0x7, v3  }
0x42: {  	v3 =	vor.u32 v3, v4  }
0x43: {  	v4 =	vperm.xlane v3, v0;
	_ =	sdelay $0x1  }
0x44: {  	v4 =	vadd.s32 v1, v4;
	_ =	sdelay $0x3  }
0x45: {  	v3 =	vperm.xlane v3, v2  }
0x46: {  	[tilespmem:s19], [sflag:$0x1] =	stream.indirect_vreg.gather [hbm4b:s3+s2], $0x80, v4, vm0, $0xb8;
	[tilespmem:$0xC080] =	vst v63  }
0x47: {  	v3 =	vadd.s32 v1, v3  }
0x48: {  	[tilespmem:s20], [sflag:$0x1] =	stream.indirect_vreg.gather [hbm4b:s4+s2], $0x80, v4, vm0, $0xb8;
	[tilespmem:$0xC080] =	vst v63  }
0x49: {  	_ = 	snop  }
0x4a: {  	[tilespmem:s21], [sflag:$0x1] =	stream.indirect_vreg.gather [hbm4b:s5+s2], $0x80, v4, vm0, $0xb8;
	[tilespmem:$0xC080] =	vst v63  }
0x4b: {  	_ = 	snop  }
0x4c: {  	[tilespmem:s22], [sflag:$0x1] =	stream.indirect_vreg.gather [hbm4b:s3+s2], $0x80, v3, vm0, $0xb8;
	[tilespmem:$0xC080] =	vst v63  }
0x4d: {  	_ = 	snop  }
0x4e: {  	[tilespmem:s23], [sflag:$0x1] =	stream.indirect_vreg.gather [hbm4b:s4+s2], $0x80, v3, vm0, $0xb8;
	[tilespmem:$0xC080] =	vst v63  }
0x4f: {  	_ = 	snop  }
0x50: {  	[tilespmem:s24], [sflag:$0x1] =	stream.indirect_vreg.gather [hbm4b:s5+s2], $0x80, v3, vm0, $0xb8;
	[tilespmem:$0xC080] =	vst v63  }
0x51: {  	v3 =	vld [tilespmem:$0x30];
	_ =	sdelay $0x4  }
0x52: {  	v63 =	vshrl.u32 v3, $0x3  }
0x53: {  	v4 =	vmul.u32 $0x30, v63  }
0x54: {  	v3 =	vand.u32 $0x7, v3  }
0x55: {  	v3 =	vor.u32 v3, v4  }
0x56: {  	v4 =	vperm.xlane v3, v0;
	_ =	sdelay $0x1  }
0x57: {  	v4 =	vadd.s32 v1, v4;
	_ =	sdelay $0x3  }
0x58: {  	v3 =	vperm.xlane v3, v2  }
0x59: {  	[tilespmem:s25], [sflag:$0x1] =	stream.indirect_vreg.gather [hbm4b:s3+s2], $0x80, v4, vm0, $0xb8;
	[tilespmem:$0xC080] =	vst v63  }
0x5a: {  	v3 =	vadd.s32 v1, v3  }
0x5b: {  	[tilespmem:s26], [sflag:$0x1] =	stream.indirect_vreg.gather [hbm4b:s4+s2], $0x80, v4, vm0, $0xb8;
	[tilespmem:$0xC080] =	vst v63  }
0x5c: {  	_ = 	snop  }
0x5d: {  	[tilespmem:s28], [sflag:$0x1] =	stream.indirect_vreg.gather [hbm4b:s5+s2], $0x80, v4, vm0, $0xb8;
	[tilespmem:$0xC080] =	vst v63  }
0x5e: {  	_ = 	snop  }
0x5f: {  	[tilespmem:s29], [sflag:$0x1] =	stream.indirect_vreg.gather [hbm4b:s3+s2], $0x80, v3, vm0, $0xb8;
	[tilespmem:$0xC080] =	vst v63  }
0x60: {  	_ = 	snop  }
0x61: {  	[tilespmem:s30], [sflag:$0x1] =	stream.indirect_vreg.gather [hbm4b:s4+s2], $0x80, v3, vm0, $0xb8;
	[tilespmem:$0xC080] =	vst v63  }
0x62: {  	_ = 	snop  }
0x63: {  	[tilespmem:s31], [sflag:$0x1] =	stream.indirect_vreg.gather [hbm4b:s5+s2], $0x80, v3, vm0, $0xb8;
	[tilespmem:$0xC080] =	vst v63  }
0x64: {  	_ =	swait.ge [sflag:s0], $0xC000  }
0x65: {  	p0 =	sne.s32 s6, $0x1;
	[sflag:s0] =	ssyncset.done $0x0  }
.Ltmp0:
0x66: {  	s1 =	rddreg [dreg:$0x4];
	[sflag:s0] =	ssyncadd.s32 $0xFFFF4000;
	(pc) =	sbr.rel @p0 .LBB2_1-.Ltmp0, $4  }
0x67: {  	[hbm4b:s1+s2] =	stream.linear.scatter [tilespmem:s8], [sflag:$0x2], $0xC000, $0x38;
	[tilespmem:$0xC080] =	vst v63  }
0x68: {  	_ =	swait.ge [sflag:s7], $0xC000  }
0x69: {  	[sflag:s7] =	ssyncset.done $0x0  }
0x6a: {  	s6 =	sadd.s32 $0xFFFFFFFF, s6;
	[sflag:s7] =	ssyncadd.s32 $0xFFFF4000  }
0x6b: {  	_ =	sfence.sel $0x180000  }
0x6c: {  	[bflag:$0x0] =	sbarrier.arrive $0xFFFF  }
0x6d: {  	_ =	strace $0x9000004A  }
0x6e: {  	s0 =	stileid.u32;
	[bflag:$0x2] =	sbarrier.arrive $0xFFFF  }
0x6f: {  	p0 =	sne.s32 s0, $0x0;
	s0 =	rddreg [dreg:$0x2]  }
0x70: {  	s0 =	sadd.s32 @!p0 $0x100000, s0  }
0x71: {  	[sflag:s0] =	ssyncadd.tile.s32 @!p0 $0x1;
	_ =	shalt  }
.Lfunc_end2:
_tile_overlayer_lowered:
.L_overlay_start_2:
0x72: {  	(tag) =	ssettag $0x2  }
0x73: {  	s0 =	rddreg [dreg:$0x0];
	s2 =	stileid.u32  }
0x74: {  	s1 =	rddreg [dreg:$0x1];
	p0 =	sne.s32 s2, $0x0  }
0x75: {  	s3 =	rddreg [dreg:$0x2];
	[bflag:$0x3] =	sbarrier.arrive $0xFFFF;
	s2 =	simm.s32 @!p0 $0x1C02  }
0x76: {  	[timem:s3], [sflag:s2] =	dma.local @!p0 [hbm:s0], s1  }
0x77: {  	s0 =	simm.s32 @!p0 $0x2  }
0x78: {  	_ =	swait.ge @!p0 [sflag:s0], s1  }
0x79: {  	s1 =	ssub.s32 @!p0 $0x0, s1;
	[sflag:s0] =	ssyncset.done @!p0 $0x0  }
0x7a: {  	[sflag:s0] =	ssyncadd.s32 @!p0 s1  }
0x7b: {  	[bflag:$0x3] =	sbarrier.arrive $0xFFFF  }
0x7c: {  	_ =	shalt  }

</sc_bundles>
